<compile_context>
chip_gen: v7x
topology: tpu7x:2x2x1
jax: 0.10.2.dev20260603
libtpu: 0.0.44.dev20260713+nightly
codegen_flags: <defaults>
</compile_context>

<pallas_src>
import jax
import jax.numpy as jnp
from jax import lax
from jax.experimental import pallas as pl
from jax.experimental.pallas import tpu as pltpu
from jax.experimental.pallas import tpu_sc as plsc

NUM_CLASSES = 1000
NUM_CORES = 2
NUM_SUBCORES = 16
LANES = 16
NUM_WORKERS = NUM_CORES * NUM_SUBCORES

CBLK = 200
NBUF = 2
BCOL = 128


def _build(n_b: int, n_j: int):
    assert n_b == NUM_WORKERS * BCOL
    n_cblk = NUM_CLASSES // CBLK
    nblk = n_j * n_cblk
    full_iters = (nblk - NBUF) // NBUF
    tail = (nblk - NBUF) % NBUF
    xc_len = BCOL * n_j

    mesh = plsc.VectorSubcoreMesh(
        core_axis_name="c", subcore_axis_name="s",
        num_cores=NUM_CORES, num_subcores=NUM_SUBCORES)

    def body(x_hbm, out_hbm, xc, *scratch):
        bufs = scratch[:NBUF]
        sems = scratch[NBUF:]
        wid = lax.axis_index("s") * NUM_CORES + lax.axis_index("c")
        bcol0 = wid * BCOL

        pltpu.sync_copy(x_hbm.at[pl.ds(bcol0 * n_j, xc_len)], xc)

        zeros16 = jnp.zeros((LANES,), jnp.float32)
        ones16 = jnp.full((LANES,), 1.0, jnp.float32)
        lane_iota = lax.iota(jnp.int32, LANES)

        for b in range(NBUF):
            def zero_body(r, _, b=b):
                for k in range(BCOL // LANES):
                    bufs[b][r, pl.ds(k * LANES, LANES)] = zeros16
                return 0
            lax.fori_loop(0, CBLK, zero_body, 0)

        def scatter(b, t, val):
            j = t // n_cblk
            c0 = (t % n_cblk) * CBLK
            for g in range(BCOL // LANES):
                pos = lane_iota * n_j + (g * LANES * n_j + j)
                c = plsc.load_gather(xc, [pos])
                mask = (c >= c0) & (c < c0 + CBLK)
                plsc.store_scatter(
                    bufs[b], [c - c0, lane_iota + g * LANES], val, mask=mask)

        def start_dma(b, t):
            j = t // n_cblk
            c0 = (t % n_cblk) * CBLK
            dst = out_hbm.at[j, pl.ds(c0, CBLK), pl.ds(bcol0, BCOL)]
            pltpu.async_copy(bufs[b], dst, sems[b])

        def wait_dma(b):
            dst = out_hbm.at[0, pl.ds(0, CBLK), pl.ds(0, BCOL)]
            pltpu.make_async_copy(bufs[b], dst, sems[b]).wait()

        for b in range(NBUF):
            scatter(b, b, ones16)
            start_dma(b, b)

        def loop_body(i, carry):
            for b in range(NBUF):
                t = i * NBUF + b
                wait_dma(b)
                scatter(b, t - NBUF, zeros16)
                scatter(b, t, ones16)
                start_dma(b, t)
            return carry
        lax.fori_loop(1, full_iters + 1, loop_body, 0)

        for k in range(tail):
            t = (full_iters + 1) * NBUF + k
            b = t % NBUF
            wait_dma(b)
            scatter(b, t - NBUF, zeros16)
            scatter(b, t, ones16)
            start_dma(b, t)

        for b in range(NBUF):
            wait_dma(b)

    fn = pl.kernel(
        body,
        out_type=jax.ShapeDtypeStruct((n_j, NUM_CLASSES, n_b), jnp.float32),
        mesh=mesh,
        compiler_params=pltpu.CompilerParams(needs_layout_passes=False),
        scratch_types=(
            [pltpu.VMEM((xc_len,), jnp.int32)]
            + [pltpu.VMEM((CBLK, BCOL), jnp.float32)] * NBUF
            + [pltpu.SemaphoreType.DMA] * NBUF
        ),
    )
    return fn


def kernel(x):
    n_b, n_j = x.shape
    out = _build(n_b, n_j)(x.reshape(n_b * n_j).astype(jnp.int32))
    return jnp.transpose(out, (2, 0, 1))

# --- scband reference (transcript-rebuilt; emitter-appended) ---
"""Pipeline reference for scband-one-hot-embedding-13950053777642 (READ-ONLY COPY).

The authoritative reference and input builder live on the scoring server;
editing this copy changes nothing except your own understanding.
"""

import jax, jax.numpy as jnp
import numpy as np

NUM_CLASSES = 1000

def setup_inputs(seed: int = 0) -> dict:
    key = jax.random.key(seed)
    x = jax.random.randint(key, (4096, 26), 0, NUM_CLASSES, dtype=jnp.int64 if jax.config.jax_enable_x64 else jnp.int32)
    return {"x": x}

def reference(x):
    # Faithful translation of: torch.eye(num_classes)[x]
    eye = jnp.eye(NUM_CLASSES, dtype=jnp.float32)
    return jnp.take(eye, x, axis=0)

if __name__ == "__main__":
    import jax
    _d = setup_inputs()
    print(jax.jit(kernel)(*tuple(_d.values())))

</pallas_src>

<mosaic_0001>
#map = affine_map<(d0, d1) -> (0)>
#map1 = affine_map<(d0, d1) -> (0, 0, 0)>
module attributes {stable_mosaic.version = 14 : i64} {
  func.func @body(%arg0: i32, %arg1: i32, %arg2: memref<106496xi32, #tpu.memory_space<hbm>>, %arg3: memref<26x1000x4096xf32, #tpu.memory_space<hbm>>, %arg4: memref<3328xi32, #tpu.memory_space<vmem>>, %arg5: memref<200x128xf32, #tpu.memory_space<vmem>>, %arg6: memref<200x128xf32, #tpu.memory_space<vmem>>, %arg7: memref<!tpu.dma_semaphore, #tpu.memory_space<semaphore_mem>>, %arg8: memref<!tpu.dma_semaphore, #tpu.memory_space<semaphore_mem>>) attributes {dimension_semantics = [#tpu.dimension_semantics<core_parallel>, #tpu.dimension_semantics<subcore_parallel>], iteration_bounds = array<i64: 2, 16>, scalar_prefetch = 0 : i64, scratch_operands = 5 : i64, tpu.core_type = #tpu.core_type<sc_vector_subcore>, window_params = [{transform_indices = #map}, {transform_indices = #map1}]} {
    %mul3A = arith.constant 2 : i32
    %mul3A_0 = arith.muli %arg1, %mul3A : i32
    %add3A = arith.addi %mul3A_0, %arg0 : i32
    %mul3A_1 = arith.constant 128 : i32
    %mul3A_2 = arith.muli %add3A, %mul3A_1 : i32
    %mul3A_3 = arith.constant 26 : i32
    %mul3A_4 = arith.muli %mul3A_2, %mul3A_3 : i32
    "tpu.region"() ({
      %run_scoped3A = tpu.sem_alloc : memref<!tpu.dma_semaphore, #tpu.memory_space<semaphore_mem>>
      %dma_start3A_372 = tpu.memref_slice %arg2[%mul3A_4] : memref<106496xi32, #tpu.memory_space<hbm>> -> memref<3328xi32, #tpu.memory_space<hbm>>
      %dma_start3A_373 = tpu.memref_slice %arg2[%mul3A_4] : memref<106496xi32, #tpu.memory_space<hbm>> -> memref<3328xi32, #tpu.memory_space<hbm>>
      tpu.enqueue_dma source(%dma_start3A_373 : memref<3328xi32, #tpu.memory_space<hbm>>) target(%arg4 : memref<3328xi32, #tpu.memory_space<vmem>>) target_semaphore(%run_scoped3A : memref<!tpu.dma_semaphore, #tpu.memory_space<semaphore_mem>>)
      %dma_wait3A_374 = tpu.memref_slice %arg2[%mul3A_4] : memref<106496xi32, #tpu.memory_space<hbm>> -> memref<3328xi32, #tpu.memory_space<hbm>>
      %dma_wait3A_375 = tpu.memref_slice %arg2[%mul3A_4] : memref<106496xi32, #tpu.memory_space<hbm>> -> memref<3328xi32, #tpu.memory_space<hbm>>
      tpu.wait_dma2 semaphore(%run_scoped3A : memref<!tpu.dma_semaphore, #tpu.memory_space<semaphore_mem>>) src(%dma_wait3A_375 : memref<3328xi32, #tpu.memory_space<hbm>>) dst(%arg4 : memref<3328xi32, #tpu.memory_space<vmem>>)
      tpu.yield
    }) : () -> ()
    %broadcast_in_dim3A = arith.constant 0.000000e+00 : f32
    %broadcast_in_dim3A_5 = vector.broadcast %broadcast_in_dim3A : f32 to vector<16xf32>
    %broadcast_in_dim3A_6 = arith.constant 1.000000e+00 : f32
    %broadcast_in_dim3A_7 = vector.broadcast %broadcast_in_dim3A_6 : f32 to vector<16xf32>
    %iota3A = tpu.iota {dimensions = array<i32: 0>} : vector<16xi32>
    %scan3A = arith.constant 0 : i32
    %scan3A_8 = arith.constant 0 : i32
    %scan3A_9 = arith.constant 200 : i32
    %scan3A_10 = arith.addi %scan3A_8, %scan3A_9 : i32
    %scan3A_11 = arith.constant 1 : i32
    %scan3A_12 = scf.for %scan3A_372 = %scan3A_8 to %scan3A_10 step %scan3A_11 iter_args(%scan3A_373 = %scan3A) -> (i32)  : i32 {
      %swap3A = arith.index_cast %scan3A_372 : i32 to index
      %swap3A_374 = arith.constant 0 : index
      %swap3A_375 = tpu.vector_load %arg5[%swap3A, %swap3A_374] {strides = array<i32>} : memref<200x128xf32, #tpu.memory_space<vmem>>, vector<16xf32>,
      tpu.vector_store %arg5[%swap3A, %swap3A_374], %broadcast_in_dim3A_5 {strides = array<i32>} : memref<200x128xf32, #tpu.memory_space<vmem>>, vector<16xf32>,
      %swap3A_376 = arith.index_cast %scan3A_372 : i32 to index
      %swap3A_377 = arith.constant 16 : index
      %swap3A_378 = tpu.vector_load %arg5[%swap3A_376, %swap3A_377] {strides = array<i32>} : memref<200x128xf32, #tpu.memory_space<vmem>>, vector<16xf32>,
      tpu.vector_store %arg5[%swap3A_376, %swap3A_377], %broadcast_in_dim3A_5 {strides = array<i32>} : memref<200x128xf32, #tpu.memory_space<vmem>>, vector<16xf32>,
      %swap3A_379 = arith.index_cast %scan3A_372 : i32 to index
      %swap3A_380 = arith.constant 32 : index
      %swap3A_381 = tpu.vector_load %arg5[%swap3A_379, %swap3A_380] {strides = array<i32>} : memref<200x128xf32, #tpu.memory_space<vmem>>, vector<16xf32>,
      tpu.vector_store %arg5[%swap3A_379, %swap3A_380], %broadcast_in_dim3A_5 {strides = array<i32>} : memref<200x128xf32, #tpu.memory_space<vmem>>, vector<16xf32>,
      %swap3A_382 = arith.index_cast %scan3A_372 : i32 to index
      %swap3A_383 = arith.constant 48 : index
      %swap3A_384 = tpu.vector_load %arg5[%swap3A_382, %swap3A_383] {strides = array<i32>} : memref<200x128xf32, #tpu.memory_space<vmem>>, vector<16xf32>,
      tpu.vector_store %arg5[%swap3A_382, %swap3A_383], %broadcast_in_dim3A_5 {strides = array<i32>} : memref<200x128xf32, #tpu.memory_space<vmem>>, vector<16xf32>,
      %swap3A_385 = arith.index_cast %scan3A_372 : i32 to index
      %swap3A_386 = arith.constant 64 : index
      %swap3A_387 = tpu.vector_load %arg5[%swap3A_385, %swap3A_386] {strides = array<i32>} : memref<200x128xf32, #tpu.memory_space<vmem>>, vector<16xf32>,
      tpu.vector_store %arg5[%swap3A_385, %swap3A_386], %broadcast_in_dim3A_5 {strides = array<i32>} : memref<200x128xf32, #tpu.memory_space<vmem>>, vector<16xf32>,
      %swap3A_388 = arith.index_cast %scan3A_372 : i32 to index
      %swap3A_389 = arith.constant 80 : index
      %swap3A_390 = tpu.vector_load %arg5[%swap3A_388, %swap3A_389] {strides = array<i32>} : memref<200x128xf32, #tpu.memory_space<vmem>>, vector<16xf32>,
      tpu.vector_store %arg5[%swap3A_388, %swap3A_389], %broadcast_in_dim3A_5 {strides = array<i32>} : memref<200x128xf32, #tpu.memory_space<vmem>>, vector<16xf32>,
      %swap3A_391 = arith.index_cast %scan3A_372 : i32 to index
      %swap3A_392 = arith.constant 96 : index
      %swap3A_393 = tpu.vector_load %arg5[%swap3A_391, %swap3A_392] {strides = array<i32>} : memref<200x128xf32, #tpu.memory_space<vmem>>, vector<16xf32>,
      tpu.vector_store %arg5[%swap3A_391, %swap3A_392], %broadcast_in_dim3A_5 {strides = array<i32>} : memref<200x128xf32, #tpu.memory_space<vmem>>, vector<16xf32>,
      %swap3A_394 = arith.index_cast %scan3A_372 : i32 to index
      %swap3A_395 = arith.constant 112 : index
      %swap3A_396 = tpu.vector_load %arg5[%swap3A_394, %swap3A_395] {strides = array<i32>} : memref<200x128xf32, #tpu.memory_space<vmem>>, vector<16xf32>,
      tpu.vector_store %arg5[%swap3A_394, %swap3A_395], %broadcast_in_dim3A_5 {strides = array<i32>} : memref<200x128xf32, #tpu.memory_space<vmem>>, vector<16xf32>,
      %scan3A_397 = arith.constant 0 : i32
      scf.yield %scan3A_397 : i32
    }
    %scan3A_13 = arith.constant 200 : i32
    %scan3A_14 = arith.constant 0 : i32
    %scan3A_15 = arith.constant 0 : i32
    %scan3A_16 = arith.constant 200 : i32
    %scan3A_17 = arith.addi %scan3A_15, %scan3A_16 : i32
    %scan3A_18 = arith.constant 1 : i32
    %scan3A_19 = scf.for %scan3A_372 = %scan3A_15 to %scan3A_17 step %scan3A_18 iter_args(%scan3A_373 = %scan3A_14) -> (i32)  : i32 {
      %swap3A = arith.index_cast %scan3A_372 : i32 to index
      %swap3A_374 = arith.constant 0 : index
      %swap3A_375 = tpu.vector_load %arg6[%swap3A, %swap3A_374] {strides = array<i32>} : memref<200x128xf32, #tpu.memory_space<vmem>>, vector<16xf32>,
      tpu.vector_store %arg6[%swap3A, %swap3A_374], %broadcast_in_dim3A_5 {strides = array<i32>} : memref<200x128xf32, #tpu.memory_space<vmem>>, vector<16xf32>,
      %swap3A_376 = arith.index_cast %scan3A_372 : i32 to index
      %swap3A_377 = arith.constant 16 : index
      %swap3A_378 = tpu.vector_load %arg6[%swap3A_376, %swap3A_377] {strides = array<i32>} : memref<200x128xf32, #tpu.memory_space<vmem>>, vector<16xf32>,
      tpu.vector_store %arg6[%swap3A_376, %swap3A_377], %broadcast_in_dim3A_5 {strides = array<i32>} : memref<200x128xf32, #tpu.memory_space<vmem>>, vector<16xf32>,
      %swap3A_379 = arith.index_cast %scan3A_372 : i32 to index
      %swap3A_380 = arith.constant 32 : index
      %swap3A_381 = tpu.vector_load %arg6[%swap3A_379, %swap3A_380] {strides = array<i32>} : memref<200x128xf32, #tpu.memory_space<vmem>>, vector<16xf32>,
      tpu.vector_store %arg6[%swap3A_379, %swap3A_380], %broadcast_in_dim3A_5 {strides = array<i32>} : memref<200x128xf32, #tpu.memory_space<vmem>>, vector<16xf32>,
      %swap3A_382 = arith.index_cast %scan3A_372 : i32 to index
      %swap3A_383 = arith.constant 48 : index
      %swap3A_384 = tpu.vector_load %arg6[%swap3A_382, %swap3A_383] {strides = array<i32>} : memref<200x128xf32, #tpu.memory_space<vmem>>, vector<16xf32>,
      tpu.vector_store %arg6[%swap3A_382, %swap3A_383], %broadcast_in_dim3A_5 {strides = array<i32>} : memref<200x128xf32, #tpu.memory_space<vmem>>, vector<16xf32>,
      %swap3A_385 = arith.index_cast %scan3A_372 : i32 to index
      %swap3A_386 = arith.constant 64 : index
      %swap3A_387 = tpu.vector_load %arg6[%swap3A_385, %swap3A_386] {strides = array<i32>} : memref<200x128xf32, #tpu.memory_space<vmem>>, vector<16xf32>,
      tpu.vector_store %arg6[%swap3A_385, %swap3A_386], %broadcast_in_dim3A_5 {strides = array<i32>} : memref<200x128xf32, #tpu.memory_space<vmem>>, vector<16xf32>,
      %swap3A_388 = arith.index_cast %scan3A_372 : i32 to index
      %swap3A_389 = arith.constant 80 : index
      %swap3A_390 = tpu.vector_load %arg6[%swap3A_388, %swap3A_389] {strides = array<i32>} : memref<200x128xf32, #tpu.memory_space<vmem>>, vector<16xf32>,
      tpu.vector_store %arg6[%swap3A_388, %swap3A_389], %broadcast_in_dim3A_5 {strides = array<i32>} : memref<200x128xf32, #tpu.memory_space<vmem>>, vector<16xf32>,
      %swap3A_391 = arith.index_cast %scan3A_372 : i32 to index
      %swap3A_392 = arith.constant 96 : index
      %swap3A_393 = tpu.vector_load %arg6[%swap3A_391, %swap3A_392] {strides = array<i32>} : memref<200x128xf32, #tpu.memory_space<vmem>>, vector<16xf32>,
      tpu.vector_store %arg6[%swap3A_391, %swap3A_392], %broadcast_in_dim3A_5 {strides = array<i32>} : memref<200x128xf32, #tpu.memory_space<vmem>>, vector<16xf32>,
      %swap3A_394 = arith.index_cast %scan3A_372 : i32 to index
      %swap3A_395 = arith.constant 112 : index
      %swap3A_396 = tpu.vector_load %arg6[%swap3A_394, %swap3A_395] {strides = array<i32>} : memref<200x128xf32, #tpu.memory_space<vmem>>, vector<16xf32>,
      tpu.vector_store %arg6[%swap3A_394, %swap3A_395], %broadcast_in_dim3A_5 {strides = array<i32>} : memref<200x128xf32, #tpu.memory_space<vmem>>, vector<16xf32>,
      %scan3A_397 = arith.constant 0 : i32
      scf.yield %scan3A_397 : i32
    }
    %scan3A_20 = arith.constant 200 : i32
    %mul3A_21 = arith.constant 26 : i32
    %mul3A_22 = vector.broadcast %mul3A_21 : i32 to vector<16xi32>
    %mul3A_23 = arith.muli %iota3A, %mul3A_22 : vector<16xi32>
    %add3A_24 = arith.constant 0 : i32
    %add3A_25 = vector.broadcast %add3A_24 : i32 to vector<16xi32>
    %add3A_26 = arith.addi %mul3A_23, %add3A_25 : vector<16xi32>
    %gather3A = tpu.vector_load_idx %arg4[%add3A_26] : memref<3328xi32, #tpu.memory_space<vmem>>[vector<16xi32>], vector<16xi32>,
    %ge3A = arith.constant 0 : i32
    %ge3A_27 = vector.broadcast %ge3A : i32 to vector<16xi32>
    %ge3A_28 = arith.cmpi sge, %gather3A, %ge3A_27 : vector<16xi32>
    %lt3A = arith.constant 200 : i32
    %lt3A_29 = vector.broadcast %lt3A : i32 to vector<16xi32>
    %lt3A_30 = arith.cmpi slt, %gather3A, %lt3A_29 : vector<16xi32>
    %and3A = arith.andi %ge3A_28, %lt3A_30 : vector<16xi1>
    %sub3A = arith.constant 0 : i32
    %sub3A_31 = vector.broadcast %sub3A : i32 to vector<16xi32>
    %sub3A_32 = arith.subi %gather3A, %sub3A_31 : vector<16xi32>
    %add3A_33 = arith.constant 0 : i32
    %add3A_34 = vector.broadcast %add3A_33 : i32 to vector<16xi32>
    %add3A_35 = arith.addi %iota3A, %add3A_34 : vector<16xi32>
    tpu.vector_store_idx %arg5[%sub3A_32, %add3A_35], %broadcast_in_dim3A_7 masked %and3A : memref<200x128xf32, #tpu.memory_space<vmem>>[vector<16xi32>, vector<16xi32>], vector<16xf32>, vector<16xi1>
    %mul3A_36 = arith.constant 26 : i32
    %mul3A_37 = vector.broadcast %mul3A_36 : i32 to vector<16xi32>
    %mul3A_38 = arith.muli %iota3A, %mul3A_37 : vector<16xi32>
    %add3A_39 = arith.constant 416 : i32
    %add3A_40 = vector.broadcast %add3A_39 : i32 to vector<16xi32>
    %add3A_41 = arith.addi %mul3A_38, %add3A_40 : vector<16xi32>
    %gather3A_42 = tpu.vector_load_idx %arg4[%add3A_41] : memref<3328xi32, #tpu.memory_space<vmem>>[vector<16xi32>], vector<16xi32>,
    %ge3A_43 = arith.constant 0 : i32
    %ge3A_44 = vector.broadcast %ge3A_43 : i32 to vector<16xi32>
    %ge3A_45 = arith.cmpi sge, %gather3A_42, %ge3A_44 : vector<16xi32>
    %lt3A_46 = arith.constant 200 : i32
    %lt3A_47 = vector.broadcast %lt3A_46 : i32 to vector<16xi32>
    %lt3A_48 = arith.cmpi slt, %gather3A_42, %lt3A_47 : vector<16xi32>
    %and3A_49 = arith.andi %ge3A_45, %lt3A_48 : vector<16xi1>
    %sub3A_50 = arith.constant 0 : i32
    %sub3A_51 = vector.broadcast %sub3A_50 : i32 to vector<16xi32>
    %sub3A_52 = arith.subi %gather3A_42, %sub3A_51 : vector<16xi32>
    %add3A_53 = arith.constant 16 : i32
    %add3A_54 = vector.broadcast %add3A_53 : i32 to vector<16xi32>
    %add3A_55 = arith.addi %iota3A, %add3A_54 : vector<16xi32>
    tpu.vector_store_idx %arg5[%sub3A_52, %add3A_55], %broadcast_in_dim3A_7 masked %and3A_49 : memref<200x128xf32, #tpu.memory_space<vmem>>[vector<16xi32>, vector<16xi32>], vector<16xf32>, vector<16xi1>
    %mul3A_56 = arith.constant 26 : i32
    %mul3A_57 = vector.broadcast %mul3A_56 : i32 to vector<16xi32>
    %mul3A_58 = arith.muli %iota3A, %mul3A_57 : vector<16xi32>
    %add3A_59 = arith.constant 832 : i32
    %add3A_60 = vector.broadcast %add3A_59 : i32 to vector<16xi32>
    %add3A_61 = arith.addi %mul3A_58, %add3A_60 : vector<16xi32>
    %gather3A_62 = tpu.vector_load_idx %arg4[%add3A_61] : memref<3328xi32, #tpu.memory_space<vmem>>[vector<16xi32>], vector<16xi32>,
    %ge3A_63 = arith.constant 0 : i32
    %ge3A_64 = vector.broadcast %ge3A_63 : i32 to vector<16xi32>
    %ge3A_65 = arith.cmpi sge, %gather3A_62, %ge3A_64 : vector<16xi32>
    %lt3A_66 = arith.constant 200 : i32
    %lt3A_67 = vector.broadcast %lt3A_66 : i32 to vector<16xi32>
    %lt3A_68 = arith.cmpi slt, %gather3A_62, %lt3A_67 : vector<16xi32>
    %and3A_69 = arith.andi %ge3A_65, %lt3A_68 : vector<16xi1>
    %sub3A_70 = arith.constant 0 : i32
    %sub3A_71 = vector.broadcast %sub3A_70 : i32 to vector<16xi32>
    %sub3A_72 = arith.subi %gather3A_62, %sub3A_71 : vector<16xi32>
    %add3A_73 = arith.constant 32 : i32
    %add3A_74 = vector.broadcast %add3A_73 : i32 to vector<16xi32>
    %add3A_75 = arith.addi %iota3A, %add3A_74 : vector<16xi32>
    tpu.vector_store_idx %arg5[%sub3A_72, %add3A_75], %broadcast_in_dim3A_7 masked %and3A_69 : memref<200x128xf32, #tpu.memory_space<vmem>>[vector<16xi32>, vector<16xi32>], vector<16xf32>, vector<16xi1>
    %mul3A_76 = arith.constant 26 : i32
    %mul3A_77 = vector.broadcast %mul3A_76 : i32 to vector<16xi32>
    %mul3A_78 = arith.muli %iota3A, %mul3A_77 : vector<16xi32>
    %add3A_79 = arith.constant 1248 : i32
    %add3A_80 = vector.broadcast %add3A_79 : i32 to vector<16xi32>
    %add3A_81 = arith.addi %mul3A_78, %add3A_80 : vector<16xi32>
    %gather3A_82 = tpu.vector_load_idx %arg4[%add3A_81] : memref<3328xi32, #tpu.memory_space<vmem>>[vector<16xi32>], vector<16xi32>,
    %ge3A_83 = arith.constant 0 : i32
    %ge3A_84 = vector.broadcast %ge3A_83 : i32 to vector<16xi32>
    %ge3A_85 = arith.cmpi sge, %gather3A_82, %ge3A_84 : vector<16xi32>
    %lt3A_86 = arith.constant 200 : i32
    %lt3A_87 = vector.broadcast %lt3A_86 : i32 to vector<16xi32>
    %lt3A_88 = arith.cmpi slt, %gather3A_82, %lt3A_87 : vector<16xi32>
    %and3A_89 = arith.andi %ge3A_85, %lt3A_88 : vector<16xi1>
    %sub3A_90 = arith.constant 0 : i32
    %sub3A_91 = vector.broadcast %sub3A_90 : i32 to vector<16xi32>
    %sub3A_92 = arith.subi %gather3A_82, %sub3A_91 : vector<16xi32>
    %add3A_93 = arith.constant 48 : i32
    %add3A_94 = vector.broadcast %add3A_93 : i32 to vector<16xi32>
    %add3A_95 = arith.addi %iota3A, %add3A_94 : vector<16xi32>
    tpu.vector_store_idx %arg5[%sub3A_92, %add3A_95], %broadcast_in_dim3A_7 masked %and3A_89 : memref<200x128xf32, #tpu.memory_space<vmem>>[vector<16xi32>, vector<16xi32>], vector<16xf32>, vector<16xi1>
    %mul3A_96 = arith.constant 26 : i32
    %mul3A_97 = vector.broadcast %mul3A_96 : i32 to vector<16xi32>
    %mul3A_98 = arith.muli %iota3A, %mul3A_97 : vector<16xi32>
    %add3A_99 = arith.constant 1664 : i32
    %add3A_100 = vector.broadcast %add3A_99 : i32 to vector<16xi32>
    %add3A_101 = arith.addi %mul3A_98, %add3A_100 : vector<16xi32>
    %gather3A_102 = tpu.vector_load_idx %arg4[%add3A_101] : memref<3328xi32, #tpu.memory_space<vmem>>[vector<16xi32>], vector<16xi32>,
    %ge3A_103 = arith.constant 0 : i32
    %ge3A_104 = vector.broadcast %ge3A_103 : i32 to vector<16xi32>
    %ge3A_105 = arith.cmpi sge, %gather3A_102, %ge3A_104 : vector<16xi32>
    %lt3A_106 = arith.constant 200 : i32
    %lt3A_107 = vector.broadcast %lt3A_106 : i32 to vector<16xi32>
    %lt3A_108 = arith.cmpi slt, %gather3A_102, %lt3A_107 : vector<16xi32>
    %and3A_109 = arith.andi %ge3A_105, %lt3A_108 : vector<16xi1>
    %sub3A_110 = arith.constant 0 : i32
    %sub3A_111 = vector.broadcast %sub3A_110 : i32 to vector<16xi32>
    %sub3A_112 = arith.subi %gather3A_102, %sub3A_111 : vector<16xi32>
    %add3A_113 = arith.constant 64 : i32
    %add3A_114 = vector.broadcast %add3A_113 : i32 to vector<16xi32>
    %add3A_115 = arith.addi %iota3A, %add3A_114 : vector<16xi32>
    tpu.vector_store_idx %arg5[%sub3A_112, %add3A_115], %broadcast_in_dim3A_7 masked %and3A_109 : memref<200x128xf32, #tpu.memory_space<vmem>>[vector<16xi32>, vector<16xi32>], vector<16xf32>, vector<16xi1>
    %mul3A_116 = arith.constant 26 : i32
    %mul3A_117 = vector.broadcast %mul3A_116 : i32 to vector<16xi32>
    %mul3A_118 = arith.muli %iota3A, %mul3A_117 : vector<16xi32>
    %add3A_119 = arith.constant 2080 : i32
    %add3A_120 = vector.broadcast %add3A_119 : i32 to vector<16xi32>
    %add3A_121 = arith.addi %mul3A_118, %add3A_120 : vector<16xi32>
    %gather3A_122 = tpu.vector_load_idx %arg4[%add3A_121] : memref<3328xi32, #tpu.memory_space<vmem>>[vector<16xi32>], vector<16xi32>,
    %ge3A_123 = arith.constant 0 : i32
    %ge3A_124 = vector.broadcast %ge3A_123 : i32 to vector<16xi32>
    %ge3A_125 = arith.cmpi sge, %gather3A_122, %ge3A_124 : vector<16xi32>
    %lt3A_126 = arith.constant 200 : i32
    %lt3A_127 = vector.broadcast %lt3A_126 : i32 to vector<16xi32>
    %lt3A_128 = arith.cmpi slt, %gather3A_122, %lt3A_127 : vector<16xi32>
    %and3A_129 = arith.andi %ge3A_125, %lt3A_128 : vector<16xi1>
    %sub3A_130 = arith.constant 0 : i32
    %sub3A_131 = vector.broadcast %sub3A_130 : i32 to vector<16xi32>
    %sub3A_132 = arith.subi %gather3A_122, %sub3A_131 : vector<16xi32>
    %add3A_133 = arith.constant 80 : i32
    %add3A_134 = vector.broadcast %add3A_133 : i32 to vector<16xi32>
    %add3A_135 = arith.addi %iota3A, %add3A_134 : vector<16xi32>
    tpu.vector_store_idx %arg5[%sub3A_132, %add3A_135], %broadcast_in_dim3A_7 masked %and3A_129 : memref<200x128xf32, #tpu.memory_space<vmem>>[vector<16xi32>, vector<16xi32>], vector<16xf32>, vector<16xi1>
    %mul3A_136 = arith.constant 26 : i32
    %mul3A_137 = vector.broadcast %mul3A_136 : i32 to vector<16xi32>
    %mul3A_138 = arith.muli %iota3A, %mul3A_137 : vector<16xi32>
    %add3A_139 = arith.constant 2496 : i32
    %add3A_140 = vector.broadcast %add3A_139 : i32 to vector<16xi32>
    %add3A_141 = arith.addi %mul3A_138, %add3A_140 : vector<16xi32>
    %gather3A_142 = tpu.vector_load_idx %arg4[%add3A_141] : memref<3328xi32, #tpu.memory_space<vmem>>[vector<16xi32>], vector<16xi32>,
    %ge3A_143 = arith.constant 0 : i32
    %ge3A_144 = vector.broadcast %ge3A_143 : i32 to vector<16xi32>
    %ge3A_145 = arith.cmpi sge, %gather3A_142, %ge3A_144 : vector<16xi32>
    %lt3A_146 = arith.constant 200 : i32
    %lt3A_147 = vector.broadcast %lt3A_146 : i32 to vector<16xi32>
    %lt3A_148 = arith.cmpi slt, %gather3A_142, %lt3A_147 : vector<16xi32>
    %and3A_149 = arith.andi %ge3A_145, %lt3A_148 : vector<16xi1>
    %sub3A_150 = arith.constant 0 : i32
    %sub3A_151 = vector.broadcast %sub3A_150 : i32 to vector<16xi32>
    %sub3A_152 = arith.subi %gather3A_142, %sub3A_151 : vector<16xi32>
    %add3A_153 = arith.constant 96 : i32
    %add3A_154 = vector.broadcast %add3A_153 : i32 to vector<16xi32>
    %add3A_155 = arith.addi %iota3A, %add3A_154 : vector<16xi32>
    tpu.vector_store_idx %arg5[%sub3A_152, %add3A_155], %broadcast_in_dim3A_7 masked %and3A_149 : memref<200x128xf32, #tpu.memory_space<vmem>>[vector<16xi32>, vector<16xi32>], vector<16xf32>, vector<16xi1>
    %mul3A_156 = arith.constant 26 : i32
    %mul3A_157 = vector.broadcast %mul3A_156 : i32 to vector<16xi32>
    %mul3A_158 = arith.muli %iota3A, %mul3A_157 : vector<16xi32>
    %add3A_159 = arith.constant 2912 : i32
    %add3A_160 = vector.broadcast %add3A_159 : i32 to vector<16xi32>
    %add3A_161 = arith.addi %mul3A_158, %add3A_160 : vector<16xi32>
    %gather3A_162 = tpu.vector_load_idx %arg4[%add3A_161] : memref<3328xi32, #tpu.memory_space<vmem>>[vector<16xi32>], vector<16xi32>,
    %ge3A_163 = arith.constant 0 : i32
    %ge3A_164 = vector.broadcast %ge3A_163 : i32 to vector<16xi32>
    %ge3A_165 = arith.cmpi sge, %gather3A_162, %ge3A_164 : vector<16xi32>
    %lt3A_166 = arith.constant 200 : i32
    %lt3A_167 = vector.broadcast %lt3A_166 : i32 to vector<16xi32>
    %lt3A_168 = arith.cmpi slt, %gather3A_162, %lt3A_167 : vector<16xi32>
    %and3A_169 = arith.andi %ge3A_165, %lt3A_168 : vector<16xi1>
    %sub3A_170 = arith.constant 0 : i32
    %sub3A_171 = vector.broadcast %sub3A_170 : i32 to vector<16xi32>
    %sub3A_172 = arith.subi %gather3A_162, %sub3A_171 : vector<16xi32>
    %add3A_173 = arith.constant 112 : i32
    %add3A_174 = vector.broadcast %add3A_173 : i32 to vector<16xi32>
    %add3A_175 = arith.addi %iota3A, %add3A_174 : vector<16xi32>
    tpu.vector_store_idx %arg5[%sub3A_172, %add3A_175], %broadcast_in_dim3A_7 masked %and3A_169 : memref<200x128xf32, #tpu.memory_space<vmem>>[vector<16xi32>, vector<16xi32>], vector<16xf32>, vector<16xi1>
    %dma_start3A = arith.constant 0 : i32
    %dma_start3A_176 = arith.constant 0 : i32
    %dma_start3A_177 = tpu.memref_slice %arg3[%dma_start3A, %dma_start3A_176, %mul3A_2] : memref<26x1000x4096xf32, #tpu.memory_space<hbm>> -> memref<1x200x128xf32, #tpu.memory_space<hbm>>
    %dma_start3A_178 = tpu.memref_squeeze %dma_start3A_177 : memref<1x200x128xf32, #tpu.memory_space<hbm>> -> memref<200x128xf32, #tpu.memory_space<hbm>>
    %dma_start3A_179 = arith.constant 0 : i32
    %dma_start3A_180 = tpu.memref_slice %arg3[%dma_start3A, %dma_start3A_179, %mul3A_2] : memref<26x1000x4096xf32, #tpu.memory_space<hbm>> -> memref<1x200x128xf32, #tpu.memory_space<hbm>>
    %dma_start3A_181 = tpu.memref_squeeze %dma_start3A_180 : memref<1x200x128xf32, #tpu.memory_space<hbm>> -> memref<200x128xf32, #tpu.memory_space<hbm>>
    tpu.enqueue_dma source(%arg5 : memref<200x128xf32, #tpu.memory_space<vmem>>) target(%dma_start3A_181 : memref<200x128xf32, #tpu.memory_space<hbm>>) target_semaphore(%arg7 : memref<!tpu.dma_semaphore, #tpu.memory_space<semaphore_mem>>)
    %mul3A_182 = arith.constant 26 : i32
    %mul3A_183 = vector.broadcast %mul3A_182 : i32 to vector<16xi32>
    %mul3A_184 = arith.muli %iota3A, %mul3A_183 : vector<16xi32>
    %add3A_185 = arith.constant 0 : i32
    %add3A_186 = vector.broadcast %add3A_185 : i32 to vector<16xi32>
    %add3A_187 = arith.addi %mul3A_184, %add3A_186 : vector<16xi32>
    %gather3A_188 = tpu.vector_load_idx %arg4[%add3A_187] : memref<3328xi32, #tpu.memory_space<vmem>>[vector<16xi32>], vector<16xi32>,
    %ge3A_189 = arith.constant 200 : i32
    %ge3A_190 = vector.broadcast %ge3A_189 : i32 to vector<16xi32>
    %ge3A_191 = arith.cmpi sge, %gather3A_188, %ge3A_190 : vector<16xi32>
    %lt3A_192 = arith.constant 400 : i32
    %lt3A_193 = vector.broadcast %lt3A_192 : i32 to vector<16xi32>
    %lt3A_194 = arith.cmpi slt, %gather3A_188, %lt3A_193 : vector<16xi32>
    %and3A_195 = arith.andi %ge3A_191, %lt3A_194 : vector<16xi1>
    %sub3A_196 = arith.constant 200 : i32
    %sub3A_197 = vector.broadcast %sub3A_196 : i32 to vector<16xi32>
    %sub3A_198 = arith.subi %gather3A_188, %sub3A_197 : vector<16xi32>
    %add3A_199 = arith.constant 0 : i32
    %add3A_200 = vector.broadcast %add3A_199 : i32 to vector<16xi32>
    %add3A_201 = arith.addi %iota3A, %add3A_200 : vector<16xi32>
    tpu.vector_store_idx %arg6[%sub3A_198, %add3A_201], %broadcast_in_dim3A_7 masked %and3A_195 : memref<200x128xf32, #tpu.memory_space<vmem>>[vector<16xi32>, vector<16xi32>], vector<16xf32>, vector<16xi1>
    %mul3A_202 = arith.constant 26 : i32
    %mul3A_203 = vector.broadcast %mul3A_202 : i32 to vector<16xi32>
    %mul3A_204 = arith.muli %iota3A, %mul3A_203 : vector<16xi32>
    %add3A_205 = arith.constant 416 : i32
    %add3A_206 = vector.broadcast %add3A_205 : i32 to vector<16xi32>
    %add3A_207 = arith.addi %mul3A_204, %add3A_206 : vector<16xi32>
    %gather3A_208 = tpu.vector_load_idx %arg4[%add3A_207] : memref<3328xi32, #tpu.memory_space<vmem>>[vector<16xi32>], vector<16xi32>,
    %ge3A_209 = arith.constant 200 : i32
    %ge3A_210 = vector.broadcast %ge3A_209 : i32 to vector<16xi32>
    %ge3A_211 = arith.cmpi sge, %gather3A_208, %ge3A_210 : vector<16xi32>
    %lt3A_212 = arith.constant 400 : i32
    %lt3A_213 = vector.broadcast %lt3A_212 : i32 to vector<16xi32>
    %lt3A_214 = arith.cmpi slt, %gather3A_208, %lt3A_213 : vector<16xi32>
    %and3A_215 = arith.andi %ge3A_211, %lt3A_214 : vector<16xi1>
    %sub3A_216 = arith.constant 200 : i32
    %sub3A_217 = vector.broadcast %sub3A_216 : i32 to vector<16xi32>
    %sub3A_218 = arith.subi %gather3A_208, %sub3A_217 : vector<16xi32>
    %add3A_219 = arith.constant 16 : i32
    %add3A_220 = vector.broadcast %add3A_219 : i32 to vector<16xi32>
    %add3A_221 = arith.addi %iota3A, %add3A_220 : vector<16xi32>
    tpu.vector_store_idx %arg6[%sub3A_218, %add3A_221], %broadcast_in_dim3A_7 masked %and3A_215 : memref<200x128xf32, #tpu.memory_space<vmem>>[vector<16xi32>, vector<16xi32>], vector<16xf32>, vector<16xi1>
    %mul3A_222 = arith.constant 26 : i32
    %mul3A_223 = vector.broadcast %mul3A_222 : i32 to vector<16xi32>
    %mul3A_224 = arith.muli %iota3A, %mul3A_223 : vector<16xi32>
    %add3A_225 = arith.constant 832 : i32
    %add3A_226 = vector.broadcast %add3A_225 : i32 to vector<16xi32>
    %add3A_227 = arith.addi %mul3A_224, %add3A_226 : vector<16xi32>
    %gather3A_228 = tpu.vector_load_idx %arg4[%add3A_227] : memref<3328xi32, #tpu.memory_space<vmem>>[vector<16xi32>], vector<16xi32>,
    %ge3A_229 = arith.constant 200 : i32
    %ge3A_230 = vector.broadcast %ge3A_229 : i32 to vector<16xi32>
    %ge3A_231 = arith.cmpi sge, %gather3A_228, %ge3A_230 : vector<16xi32>
    %lt3A_232 = arith.constant 400 : i32
    %lt3A_233 = vector.broadcast %lt3A_232 : i32 to vector<16xi32>
    %lt3A_234 = arith.cmpi slt, %gather3A_228, %lt3A_233 : vector<16xi32>
    %and3A_235 = arith.andi %ge3A_231, %lt3A_234 : vector<16xi1>
    %sub3A_236 = arith.constant 200 : i32
    %sub3A_237 = vector.broadcast %sub3A_236 : i32 to vector<16xi32>
    %sub3A_238 = arith.subi %gather3A_228, %sub3A_237 : vector<16xi32>
    %add3A_239 = arith.constant 32 : i32
    %add3A_240 = vector.broadcast %add3A_239 : i32 to vector<16xi32>
    %add3A_241 = arith.addi %iota3A, %add3A_240 : vector<16xi32>
    tpu.vector_store_idx %arg6[%sub3A_238, %add3A_241], %broadcast_in_dim3A_7 masked %and3A_235 : memref<200x128xf32, #tpu.memory_space<vmem>>[vector<16xi32>, vector<16xi32>], vector<16xf32>, vector<16xi1>
    %mul3A_242 = arith.constant 26 : i32
    %mul3A_243 = vector.broadcast %mul3A_242 : i32 to vector<16xi32>
    %mul3A_244 = arith.muli %iota3A, %mul3A_243 : vector<16xi32>
    %add3A_245 = arith.constant 1248 : i32
    %add3A_246 = vector.broadcast %add3A_245 : i32 to vector<16xi32>
    %add3A_247 = arith.addi %mul3A_244, %add3A_246 : vector<16xi32>
    %gather3A_248 = tpu.vector_load_idx %arg4[%add3A_247] : memref<3328xi32, #tpu.memory_space<vmem>>[vector<16xi32>], vector<16xi32>,
    %ge3A_249 = arith.constant 200 : i32
    %ge3A_250 = vector.broadcast %ge3A_249 : i32 to vector<16xi32>
    %ge3A_251 = arith.cmpi sge, %gather3A_248, %ge3A_250 : vector<16xi32>
    %lt3A_252 = arith.constant 400 : i32
    %lt3A_253 = vector.broadcast %lt3A_252 : i32 to vector<16xi32>
    %lt3A_254 = arith.cmpi slt, %gather3A_248, %lt3A_253 : vector<16xi32>
    %and3A_255 = arith.andi %ge3A_251, %lt3A_254 : vector<16xi1>
    %sub3A_256 = arith.constant 200 : i32
    %sub3A_257 = vector.broadcast %sub3A_256 : i32 to vector<16xi32>
    %sub3A_258 = arith.subi %gather3A_248, %sub3A_257 : vector<16xi32>
    %add3A_259 = arith.constant 48 : i32
    %add3A_260 = vector.broadcast %add3A_259 : i32 to vector<16xi32>
    %add3A_261 = arith.addi %iota3A, %add3A_260 : vector<16xi32>
    tpu.vector_store_idx %arg6[%sub3A_258, %add3A_261], %broadcast_in_dim3A_7 masked %and3A_255 : memref<200x128xf32, #tpu.memory_space<vmem>>[vector<16xi32>, vector<16xi32>], vector<16xf32>, vector<16xi1>
    %mul3A_262 = arith.constant 26 : i32
    %mul3A_263 = vector.broadcast %mul3A_262 : i32 to vector<16xi32>
    %mul3A_264 = arith.muli %iota3A, %mul3A_263 : vector<16xi32>
    %add3A_265 = arith.constant 1664 : i32
    %add3A_266 = vector.broadcast %add3A_265 : i32 to vector<16xi32>
    %add3A_267 = arith.addi %mul3A_264, %add3A_266 : vector<16xi32>
    %gather3A_268 = tpu.vector_load_idx %arg4[%add3A_267] : memref<3328xi32, #tpu.memory_space<vmem>>[vector<16xi32>], vector<16xi32>,
    %ge3A_269 = arith.constant 200 : i32
    %ge3A_270 = vector.broadcast %ge3A_269 : i32 to vector<16xi32>
    %ge3A_271 = arith.cmpi sge, %gather3A_268, %ge3A_270 : vector<16xi32>
    %lt3A_272 = arith.constant 400 : i32
    %lt3A_273 = vector.broadcast %lt3A_272 : i32 to vector<16xi32>
    %lt3A_274 = arith.cmpi slt, %gather3A_268, %lt3A_273 : vector<16xi32>
    %and3A_275 = arith.andi %ge3A_271, %lt3A_274 : vector<16xi1>
    %sub3A_276 = arith.constant 200 : i32
    %sub3A_277 = vector.broadcast %sub3A_276 : i32 to vector<16xi32>
    %sub3A_278 = arith.subi %gather3A_268, %sub3A_277 : vector<16xi32>
    %add3A_279 = arith.constant 64 : i32
    %add3A_280 = vector.broadcast %add3A_279 : i32 to vector<16xi32>
    %add3A_281 = arith.addi %iota3A, %add3A_280 : vector<16xi32>
    tpu.vector_store_idx %arg6[%sub3A_278, %add3A_281], %broadcast_in_dim3A_7 masked %and3A_275 : memref<200x128xf32, #tpu.memory_space<vmem>>[vector<16xi32>, vector<16xi32>], vector<16xf32>, vector<16xi1>
    %mul3A_282 = arith.constant 26 : i32
    %mul3A_283 = vector.broadcast %mul3A_282 : i32 to vector<16xi32>
    %mul3A_284 = arith.muli %iota3A, %mul3A_283 : vector<16xi32>
    %add3A_285 = arith.constant 2080 : i32
    %add3A_286 = vector.broadcast %add3A_285 : i32 to vector<16xi32>
    %add3A_287 = arith.addi %mul3A_284, %add3A_286 : vector<16xi32>
    %gather3A_288 = tpu.vector_load_idx %arg4[%add3A_287] : memref<3328xi32, #tpu.memory_space<vmem>>[vector<16xi32>], vector<16xi32>,
    %ge3A_289 = arith.constant 200 : i32
    %ge3A_290 = vector.broadcast %ge3A_289 : i32 to vector<16xi32>
    %ge3A_291 = arith.cmpi sge, %gather3A_288, %ge3A_290 : vector<16xi32>
    %lt3A_292 = arith.constant 400 : i32
    %lt3A_293 = vector.broadcast %lt3A_292 : i32 to vector<16xi32>
    %lt3A_294 = arith.cmpi slt, %gather3A_288, %lt3A_293 : vector<16xi32>
    %and3A_295 = arith.andi %ge3A_291, %lt3A_294 : vector<16xi1>
    %sub3A_296 = arith.constant 200 : i32
    %sub3A_297 = vector.broadcast %sub3A_296 : i32 to vector<16xi32>
    %sub3A_298 = arith.subi %gather3A_288, %sub3A_297 : vector<16xi32>
    %add3A_299 = arith.constant 80 : i32
    %add3A_300 = vector.broadcast %add3A_299 : i32 to vector<16xi32>
    %add3A_301 = arith.addi %iota3A, %add3A_300 : vector<16xi32>
    tpu.vector_store_idx %arg6[%sub3A_298, %add3A_301], %broadcast_in_dim3A_7 masked %and3A_295 : memref<200x128xf32, #tpu.memory_space<vmem>>[vector<16xi32>, vector<16xi32>], vector<16xf32>, vector<16xi1>
    %mul3A_302 = arith.constant 26 : i32
    %mul3A_303 = vector.broadcast %mul3A_302 : i32 to vector<16xi32>
    %mul3A_304 = arith.muli %iota3A, %mul3A_303 : vector<16xi32>
    %add3A_305 = arith.constant 2496 : i32
    %add3A_306 = vector.broadcast %add3A_305 : i32 to vector<16xi32>
    %add3A_307 = arith.addi %mul3A_304, %add3A_306 : vector<16xi32>
    %gather3A_308 = tpu.vector_load_idx %arg4[%add3A_307] : memref<3328xi32, #tpu.memory_space<vmem>>[vector<16xi32>], vector<16xi32>,
    %ge3A_309 = arith.constant 200 : i32
    %ge3A_310 = vector.broadcast %ge3A_309 : i32 to vector<16xi32>
    %ge3A_311 = arith.cmpi sge, %gather3A_308, %ge3A_310 : vector<16xi32>
    %lt3A_312 = arith.constant 400 : i32
    %lt3A_313 = vector.broadcast %lt3A_312 : i32 to vector<16xi32>
    %lt3A_314 = arith.cmpi slt, %gather3A_308, %lt3A_313 : vector<16xi32>
    %and3A_315 = arith.andi %ge3A_311, %lt3A_314 : vector<16xi1>
    %sub3A_316 = arith.constant 200 : i32
    %sub3A_317 = vector.broadcast %sub3A_316 : i32 to vector<16xi32>
    %sub3A_318 = arith.subi %gather3A_308, %sub3A_317 : vector<16xi32>
    %add3A_319 = arith.constant 96 : i32
    %add3A_320 = vector.broadcast %add3A_319 : i32 to vector<16xi32>
    %add3A_321 = arith.addi %iota3A, %add3A_320 : vector<16xi32>
    tpu.vector_store_idx %arg6[%sub3A_318, %add3A_321], %broadcast_in_dim3A_7 masked %and3A_315 : memref<200x128xf32, #tpu.memory_space<vmem>>[vector<16xi32>, vector<16xi32>], vector<16xf32>, vector<16xi1>
    %mul3A_322 = arith.constant 26 : i32
    %mul3A_323 = vector.broadcast %mul3A_322 : i32 to vector<16xi32>
    %mul3A_324 = arith.muli %iota3A, %mul3A_323 : vector<16xi32>
    %add3A_325 = arith.constant 2912 : i32
    %add3A_326 = vector.broadcast %add3A_325 : i32 to vector<16xi32>
    %add3A_327 = arith.addi %mul3A_324, %add3A_326 : vector<16xi32>
    %gather3A_328 = tpu.vector_load_idx %arg4[%add3A_327] : memref<3328xi32, #tpu.memory_space<vmem>>[vector<16xi32>], vector<16xi32>,
    %ge3A_329 = arith.constant 200 : i32
    %ge3A_330 = vector.broadcast %ge3A_329 : i32 to vector<16xi32>
    %ge3A_331 = arith.cmpi sge, %gather3A_328, %ge3A_330 : vector<16xi32>
    %lt3A_332 = arith.constant 400 : i32
    %lt3A_333 = vector.broadcast %lt3A_332 : i32 to vector<16xi32>
    %lt3A_334 = arith.cmpi slt, %gather3A_328, %lt3A_333 : vector<16xi32>
    %and3A_335 = arith.andi %ge3A_331, %lt3A_334 : vector<16xi1>
    %sub3A_336 = arith.constant 200 : i32
    %sub3A_337 = vector.broadcast %sub3A_336 : i32 to vector<16xi32>
    %sub3A_338 = arith.subi %gather3A_328, %sub3A_337 : vector<16xi32>
    %add3A_339 = arith.constant 112 : i32
    %add3A_340 = vector.broadcast %add3A_339 : i32 to vector<16xi32>
    %add3A_341 = arith.addi %iota3A, %add3A_340 : vector<16xi32>
    tpu.vector_store_idx %arg6[%sub3A_338, %add3A_341], %broadcast_in_dim3A_7 masked %and3A_335 : memref<200x128xf32, #tpu.memory_space<vmem>>[vector<16xi32>, vector<16xi32>], vector<16xf32>, vector<16xi1>
    %dma_start3A_342 = arith.constant 0 : i32
    %dma_start3A_343 = arith.constant 200 : i32
    %dma_start3A_344 = tpu.memref_slice %arg3[%dma_start3A_342, %dma_start3A_343, %mul3A_2] : memref<26x1000x4096xf32, #tpu.memory_space<hbm>> -> memref<1x200x128xf32, #tpu.memory_space<hbm>>
    %dma_start3A_345 = tpu.memref_squeeze %dma_start3A_344 : memref<1x200x128xf32, #tpu.memory_space<hbm>> -> memref<200x128xf32, #tpu.memory_space<hbm>>
    %dma_start3A_346 = arith.constant 200 : i32
    %dma_start3A_347 = tpu.memref_slice %arg3[%dma_start3A_342, %dma_start3A_346, %mul3A_2] : memref<26x1000x4096xf32, #tpu.memory_space<hbm>> -> memref<1x200x128xf32, #tpu.memory_space<hbm>>
    %dma_start3A_348 = tpu.memref_squeeze %dma_start3A_347 : memref<1x200x128xf32, #tpu.memory_space<hbm>> -> memref<200x128xf32, #tpu.memory_space<hbm>>
    tpu.enqueue_dma source(%arg6 : memref<200x128xf32, #tpu.memory_space<vmem>>) target(%dma_start3A_348 : memref<200x128xf32, #tpu.memory_space<hbm>>) target_semaphore(%arg8 : memref<!tpu.dma_semaphore, #tpu.memory_space<semaphore_mem>>)
    %scan3A_349 = arith.constant 0 : i32
    %scan3A_350 = arith.constant 1 : i32
    %scan3A_351 = arith.constant 64 : i32
    %scan3A_352 = arith.addi %scan3A_350, %scan3A_351 : i32
    %scan3A_353 = arith.constant 1 : i32
    scf.for %scan3A_372 = %scan3A_350 to %scan3A_352 step %scan3A_353  : i32 {
      %mul3A_373 = arith.constant 2 : i32
      %mul3A_374 = arith.muli %scan3A_372, %mul3A_373 : i32
      %add3A_375 = arith.constant 0 : i32
      %add3A_376 = arith.addi %mul3A_374, %add3A_375 : i32
      %dma_wait3A_377 = arith.constant 0 : i32
      %dma_wait3A_378 = arith.constant 0 : i32
      %dma_wait3A_379 = arith.constant 0 : i32
      %dma_wait3A_380 = tpu.memref_slice %arg3[%dma_wait3A_377, %dma_wait3A_378, %dma_wait3A_379] : memref<26x1000x4096xf32, #tpu.memory_space<hbm>> -> memref<1x200x128xf32, #tpu.memory_space<hbm>>
      %dma_wait3A_381 = tpu.memref_squeeze %dma_wait3A_380 : memref<1x200x128xf32, #tpu.memory_space<hbm>> -> memref<200x128xf32, #tpu.memory_space<hbm>>
      %dma_wait3A_382 = arith.constant 0 : i32
      %dma_wait3A_383 = arith.constant 0 : i32
      %dma_wait3A_384 = tpu.memref_slice %arg3[%dma_wait3A_377, %dma_wait3A_382, %dma_wait3A_383] : memref<26x1000x4096xf32, #tpu.memory_space<hbm>> -> memref<1x200x128xf32, #tpu.memory_space<hbm>>
      %dma_wait3A_385 = tpu.memref_squeeze %dma_wait3A_384 : memref<1x200x128xf32, #tpu.memory_space<hbm>> -> memref<200x128xf32, #tpu.memory_space<hbm>>
      tpu.wait_dma2 semaphore(%arg7 : memref<!tpu.dma_semaphore, #tpu.memory_space<semaphore_mem>>) src(%arg5 : memref<200x128xf32, #tpu.memory_space<vmem>>) dst(%dma_wait3A_385 : memref<200x128xf32, #tpu.memory_space<hbm>>)
      %sub3A_386 = arith.constant 2 : i32
      %sub3A_387 = arith.subi %add3A_376, %sub3A_386 : i32
      %jit3A = arith.constant 5 : i32
      %div3A = arith.divsi %sub3A_387, %jit3A : i32
      %sign3A = arith.constant 0 : i32
      %sign3A_388 = arith.cmpi sgt, %sub3A_387, %sign3A : i32
      %sign3A_389 = arith.extui %sign3A_388 : i1 to i32
      %sign3A_390 = arith.constant 0 : i32
      %sign3A_391 = arith.cmpi slt, %sub3A_387, %sign3A_390 : i32
      %sign3A_392 = arith.extui %sign3A_391 : i1 to i32
      %sign3A_393 = arith.subi %sign3A_389, %sign3A_392 : i32
      %sign3A_394 = arith.constant 0 : i32
      %sign3A_395 = arith.cmpi sgt, %jit3A, %sign3A_394 : i32
      %sign3A_396 = arith.extui %sign3A_395 : i1 to i32
      %sign3A_397 = arith.constant 0 : i32
      %sign3A_398 = arith.cmpi slt, %jit3A, %sign3A_397 : i32
      %sign3A_399 = arith.extui %sign3A_398 : i1 to i32
      %sign3A_400 = arith.subi %sign3A_396, %sign3A_399 : i32
      %ne3A = arith.cmpi ne, %sign3A_393, %sign3A_400 : i32
      %rem3A = arith.remsi %sub3A_387, %jit3A : i32
      %ne3A_401 = arith.constant 0 : i32
      %ne3A_402 = arith.cmpi ne, %rem3A, %ne3A_401 : i32
      %and3A_403 = arith.andi %ne3A, %ne3A_402 : i1
      %sub3A_404 = arith.constant 1 : i32
      %sub3A_405 = arith.subi %div3A, %sub3A_404 : i32
      %select_n3A = arith.select %and3A_403, %sub3A_405, %div3A : i32
      %jit3A_406 = arith.constant 5 : i32
      %eq3A = arith.constant 0 : i32
      %eq3A_407 = arith.cmpi eq, %jit3A_406, %eq3A : i32
      %jit3A_408 = arith.constant 1 : i32
      %select_n3A_409 = arith.select %eq3A_407, %jit3A_408, %jit3A_406 : i32
      %rem3A_410 = arith.remsi %sub3A_387, %select_n3A_409 : i32
      %ne3A_411 = arith.constant 0 : i32
      %ne3A_412 = arith.cmpi ne, %rem3A_410, %ne3A_411 : i32
      %lt3A_413 = arith.constant 0 : i32
      %lt3A_414 = arith.cmpi slt, %rem3A_410, %lt3A_413 : i32
      %lt3A_415 = arith.constant 0 : i32
      %lt3A_416 = arith.cmpi slt, %select_n3A_409, %lt3A_415 : i32
      %ne3A_417 = arith.xori %lt3A_414, %lt3A_416 : i1
      %and3A_418 = arith.andi %ne3A_417, %ne3A_412 : i1
      %add3A_419 = arith.addi %rem3A_410, %select_n3A_409 : i32
      %select_n3A_420 = arith.select %and3A_418, %add3A_419, %rem3A_410 : i32
      %mul3A_421 = arith.constant 200 : i32
      %mul3A_422 = arith.muli %select_n3A_420, %mul3A_421 : i32
      %mul3A_423 = arith.constant 26 : i32
      %mul3A_424 = vector.broadcast %mul3A_423 : i32 to vector<16xi32>
      %mul3A_425 = arith.muli %iota3A, %mul3A_424 : vector<16xi32>
      %add3A_426 = arith.constant 0 : i32
      %add3A_427 = arith.addi %add3A_426, %select_n3A : i32
      %add3A_428 = vector.broadcast %add3A_427 : i32 to vector<16xi32>
      %add3A_429 = arith.addi %mul3A_425, %add3A_428 : vector<16xi32>
      %gather3A_430 = tpu.vector_load_idx %arg4[%add3A_429] : memref<3328xi32, #tpu.memory_space<vmem>>[vector<16xi32>], vector<16xi32>,
      %ge3A_431 = vector.broadcast %mul3A_422 : i32 to vector<16xi32>
      %ge3A_432 = arith.cmpi sge, %gather3A_430, %ge3A_431 : vector<16xi32>
      %add3A_433 = arith.constant 200 : i32
      %add3A_434 = arith.addi %mul3A_422, %add3A_433 : i32
      %lt3A_435 = vector.broadcast %add3A_434 : i32 to vector<16xi32>
      %lt3A_436 = arith.cmpi slt, %gather3A_430, %lt3A_435 : vector<16xi32>
      %and3A_437 = arith.andi %ge3A_432, %lt3A_436 : vector<16xi1>
      %sub3A_438 = vector.broadcast %mul3A_422 : i32 to vector<16xi32>
      %sub3A_439 = arith.subi %gather3A_430, %sub3A_438 : vector<16xi32>
      %add3A_440 = arith.constant 0 : i32
      %add3A_441 = vector.broadcast %add3A_440 : i32 to vector<16xi32>
      %add3A_442 = arith.addi %iota3A, %add3A_441 : vector<16xi32>
      tpu.vector_store_idx %arg5[%sub3A_439, %add3A_442], %broadcast_in_dim3A_5 masked %and3A_437 : memref<200x128xf32, #tpu.memory_space<vmem>>[vector<16xi32>, vector<16xi32>], vector<16xf32>, vector<16xi1>
      %mul3A_443 = arith.constant 26 : i32
      %mul3A_444 = vector.broadcast %mul3A_443 : i32 to vector<16xi32>
      %mul3A_445 = arith.muli %iota3A, %mul3A_444 : vector<16xi32>
      %add3A_446 = arith.constant 416 : i32
      %add3A_447 = arith.addi %add3A_446, %select_n3A : i32
      %add3A_448 = vector.broadcast %add3A_447 : i32 to vector<16xi32>
      %add3A_449 = arith.addi %mul3A_445, %add3A_448 : vector<16xi32>
      %gather3A_450 = tpu.vector_load_idx %arg4[%add3A_449] : memref<3328xi32, #tpu.memory_space<vmem>>[vector<16xi32>], vector<16xi32>,
      %ge3A_451 = vector.broadcast %mul3A_422 : i32 to vector<16xi32>
      %ge3A_452 = arith.cmpi sge, %gather3A_450, %ge3A_451 : vector<16xi32>
      %add3A_453 = arith.constant 200 : i32
      %add3A_454 = arith.addi %mul3A_422, %add3A_453 : i32
      %lt3A_455 = vector.broadcast %add3A_454 : i32 to vector<16xi32>
      %lt3A_456 = arith.cmpi slt, %gather3A_450, %lt3A_455 : vector<16xi32>
      %and3A_457 = arith.andi %ge3A_452, %lt3A_456 : vector<16xi1>
      %sub3A_458 = vector.broadcast %mul3A_422 : i32 to vector<16xi32>
      %sub3A_459 = arith.subi %gather3A_450, %sub3A_458 : vector<16xi32>
      %add3A_460 = arith.constant 16 : i32
      %add3A_461 = vector.broadcast %add3A_460 : i32 to vector<16xi32>
      %add3A_462 = arith.addi %iota3A, %add3A_461 : vector<16xi32>
      tpu.vector_store_idx %arg5[%sub3A_459, %add3A_462], %broadcast_in_dim3A_5 masked %and3A_457 : memref<200x128xf32, #tpu.memory_space<vmem>>[vector<16xi32>, vector<16xi32>], vector<16xf32>, vector<16xi1>
      %mul3A_463 = arith.constant 26 : i32
      %mul3A_464 = vector.broadcast %mul3A_463 : i32 to vector<16xi32>
      %mul3A_465 = arith.muli %iota3A, %mul3A_464 : vector<16xi32>
      %add3A_466 = arith.constant 832 : i32
      %add3A_467 = arith.addi %add3A_466, %select_n3A : i32
      %add3A_468 = vector.broadcast %add3A_467 : i32 to vector<16xi32>
      %add3A_469 = arith.addi %mul3A_465, %add3A_468 : vector<16xi32>
      %gather3A_470 = tpu.vector_load_idx %arg4[%add3A_469] : memref<3328xi32, #tpu.memory_space<vmem>>[vector<16xi32>], vector<16xi32>,
      %ge3A_471 = vector.broadcast %mul3A_422 : i32 to vector<16xi32>
      %ge3A_472 = arith.cmpi sge, %gather3A_470, %ge3A_471 : vector<16xi32>
      %add3A_473 = arith.constant 200 : i32
      %add3A_474 = arith.addi %mul3A_422, %add3A_473 : i32
      %lt3A_475 = vector.broadcast %add3A_474 : i32 to vector<16xi32>
      %lt3A_476 = arith.cmpi slt, %gather3A_470, %lt3A_475 : vector<16xi32>
      %and3A_477 = arith.andi %ge3A_472, %lt3A_476 : vector<16xi1>
      %sub3A_478 = vector.broadcast %mul3A_422 : i32 to vector<16xi32>
      %sub3A_479 = arith.subi %gather3A_470, %sub3A_478 : vector<16xi32>
      %add3A_480 = arith.constant 32 : i32
      %add3A_481 = vector.broadcast %add3A_480 : i32 to vector<16xi32>
      %add3A_482 = arith.addi %iota3A, %add3A_481 : vector<16xi32>
      tpu.vector_store_idx %arg5[%sub3A_479, %add3A_482], %broadcast_in_dim3A_5 masked %and3A_477 : memref<200x128xf32, #tpu.memory_space<vmem>>[vector<16xi32>, vector<16xi32>], vector<16xf32>, vector<16xi1>
      %mul3A_483 = arith.constant 26 : i32
      %mul3A_484 = vector.broadcast %mul3A_483 : i32 to vector<16xi32>
      %mul3A_485 = arith.muli %iota3A, %mul3A_484 : vector<16xi32>
      %add3A_486 = arith.constant 1248 : i32
      %add3A_487 = arith.addi %add3A_486, %select_n3A : i32
      %add3A_488 = vector.broadcast %add3A_487 : i32 to vector<16xi32>
      %add3A_489 = arith.addi %mul3A_485, %add3A_488 : vector<16xi32>
      %gather3A_490 = tpu.vector_load_idx %arg4[%add3A_489] : memref<3328xi32, #tpu.memory_space<vmem>>[vector<16xi32>], vector<16xi32>,
      %ge3A_491 = vector.broadcast %mul3A_422 : i32 to vector<16xi32>
      %ge3A_492 = arith.cmpi sge, %gather3A_490, %ge3A_491 : vector<16xi32>
      %add3A_493 = arith.constant 200 : i32
      %add3A_494 = arith.addi %mul3A_422, %add3A_493 : i32
      %lt3A_495 = vector.broadcast %add3A_494 : i32 to vector<16xi32>
      %lt3A_496 = arith.cmpi slt, %gather3A_490, %lt3A_495 : vector<16xi32>
      %and3A_497 = arith.andi %ge3A_492, %lt3A_496 : vector<16xi1>
      %sub3A_498 = vector.broadcast %mul3A_422 : i32 to vector<16xi32>
      %sub3A_499 = arith.subi %gather3A_490, %sub3A_498 : vector<16xi32>
      %add3A_500 = arith.constant 48 : i32
      %add3A_501 = vector.broadcast %add3A_500 : i32 to vector<16xi32>
      %add3A_502 = arith.addi %iota3A, %add3A_501 : vector<16xi32>
      tpu.vector_store_idx %arg5[%sub3A_499, %add3A_502], %broadcast_in_dim3A_5 masked %and3A_497 : memref<200x128xf32, #tpu.memory_space<vmem>>[vector<16xi32>, vector<16xi32>], vector<16xf32>, vector<16xi1>
      %mul3A_503 = arith.constant 26 : i32
      %mul3A_504 = vector.broadcast %mul3A_503 : i32 to vector<16xi32>
      %mul3A_505 = arith.muli %iota3A, %mul3A_504 : vector<16xi32>
      %add3A_506 = arith.constant 1664 : i32
      %add3A_507 = arith.addi %add3A_506, %select_n3A : i32
      %add3A_508 = vector.broadcast %add3A_507 : i32 to vector<16xi32>
      %add3A_509 = arith.addi %mul3A_505, %add3A_508 : vector<16xi32>
      %gather3A_510 = tpu.vector_load_idx %arg4[%add3A_509] : memref<3328xi32, #tpu.memory_space<vmem>>[vector<16xi32>], vector<16xi32>,
      %ge3A_511 = vector.broadcast %mul3A_422 : i32 to vector<16xi32>
      %ge3A_512 = arith.cmpi sge, %gather3A_510, %ge3A_511 : vector<16xi32>
      %add3A_513 = arith.constant 200 : i32
      %add3A_514 = arith.addi %mul3A_422, %add3A_513 : i32
      %lt3A_515 = vector.broadcast %add3A_514 : i32 to vector<16xi32>
      %lt3A_516 = arith.cmpi slt, %gather3A_510, %lt3A_515 : vector<16xi32>
      %and3A_517 = arith.andi %ge3A_512, %lt3A_516 : vector<16xi1>
      %sub3A_518 = vector.broadcast %mul3A_422 : i32 to vector<16xi32>
      %sub3A_519 = arith.subi %gather3A_510, %sub3A_518 : vector<16xi32>
      %add3A_520 = arith.constant 64 : i32
      %add3A_521 = vector.broadcast %add3A_520 : i32 to vector<16xi32>
      %add3A_522 = arith.addi %iota3A, %add3A_521 : vector<16xi32>
      tpu.vector_store_idx %arg5[%sub3A_519, %add3A_522], %broadcast_in_dim3A_5 masked %and3A_517 : memref<200x128xf32, #tpu.memory_space<vmem>>[vector<16xi32>, vector<16xi32>], vector<16xf32>, vector<16xi1>
      %mul3A_523 = arith.constant 26 : i32
      %mul3A_524 = vector.broadcast %mul3A_523 : i32 to vector<16xi32>
      %mul3A_525 = arith.muli %iota3A, %mul3A_524 : vector<16xi32>
      %add3A_526 = arith.constant 2080 : i32
      %add3A_527 = arith.addi %add3A_526, %select_n3A : i32
      %add3A_528 = vector.broadcast %add3A_527 : i32 to vector<16xi32>
      %add3A_529 = arith.addi %mul3A_525, %add3A_528 : vector<16xi32>
      %gather3A_530 = tpu.vector_load_idx %arg4[%add3A_529] : memref<3328xi32, #tpu.memory_space<vmem>>[vector<16xi32>], vector<16xi32>,
      %ge3A_531 = vector.broadcast %mul3A_422 : i32 to vector<16xi32>
      %ge3A_532 = arith.cmpi sge, %gather3A_530, %ge3A_531 : vector<16xi32>
      %add3A_533 = arith.constant 200 : i32
      %add3A_534 = arith.addi %mul3A_422, %add3A_533 : i32
      %lt3A_535 = vector.broadcast %add3A_534 : i32 to vector<16xi32>
      %lt3A_536 = arith.cmpi slt, %gather3A_530, %lt3A_535 : vector<16xi32>
      %and3A_537 = arith.andi %ge3A_532, %lt3A_536 : vector<16xi1>
      %sub3A_538 = vector.broadcast %mul3A_422 : i32 to vector<16xi32>
      %sub3A_539 = arith.subi %gather3A_530, %sub3A_538 : vector<16xi32>
      %add3A_540 = arith.constant 80 : i32
      %add3A_541 = vector.broadcast %add3A_540 : i32 to vector<16xi32>
      %add3A_542 = arith.addi %iota3A, %add3A_541 : vector<16xi32>
      tpu.vector_store_idx %arg5[%sub3A_539, %add3A_542], %broadcast_in_dim3A_5 masked %and3A_537 : memref<200x128xf32, #tpu.memory_space<vmem>>[vector<16xi32>, vector<16xi32>], vector<16xf32>, vector<16xi1>
      %mul3A_543 = arith.constant 26 : i32
      %mul3A_544 = vector.broadcast %mul3A_543 : i32 to vector<16xi32>
      %mul3A_545 = arith.muli %iota3A, %mul3A_544 : vector<16xi32>
      %add3A_546 = arith.constant 2496 : i32
      %add3A_547 = arith.addi %add3A_546, %select_n3A : i32
      %add3A_548 = vector.broadcast %add3A_547 : i32 to vector<16xi32>
      %add3A_549 = arith.addi %mul3A_545, %add3A_548 : vector<16xi32>
      %gather3A_550 = tpu.vector_load_idx %arg4[%add3A_549] : memref<3328xi32, #tpu.memory_space<vmem>>[vector<16xi32>], vector<16xi32>,
      %ge3A_551 = vector.broadcast %mul3A_422 : i32 to vector<16xi32>
      %ge3A_552 = arith.cmpi sge, %gather3A_550, %ge3A_551 : vector<16xi32>
      %add3A_553 = arith.constant 200 : i32
      %add3A_554 = arith.addi %mul3A_422, %add3A_553 : i32
      %lt3A_555 = vector.broadcast %add3A_554 : i32 to vector<16xi32>
      %lt3A_556 = arith.cmpi slt, %gather3A_550, %lt3A_555 : vector<16xi32>
      %and3A_557 = arith.andi %ge3A_552, %lt3A_556 : vector<16xi1>
      %sub3A_558 = vector.broadcast %mul3A_422 : i32 to vector<16xi32>
      %sub3A_559 = arith.subi %gather3A_550, %sub3A_558 : vector<16xi32>
      %add3A_560 = arith.constant 96 : i32
      %add3A_561 = vector.broadcast %add3A_560 : i32 to vector<16xi32>
      %add3A_562 = arith.addi %iota3A, %add3A_561 : vector<16xi32>
      tpu.vector_store_idx %arg5[%sub3A_559, %add3A_562], %broadcast_in_dim3A_5 masked %and3A_557 : memref<200x128xf32, #tpu.memory_space<vmem>>[vector<16xi32>, vector<16xi32>], vector<16xf32>, vector<16xi1>
      %mul3A_563 = arith.constant 26 : i32
      %mul3A_564 = vector.broadcast %mul3A_563 : i32 to vector<16xi32>
      %mul3A_565 = arith.muli %iota3A, %mul3A_564 : vector<16xi32>
      %add3A_566 = arith.constant 2912 : i32
      %add3A_567 = arith.addi %add3A_566, %select_n3A : i32
      %add3A_568 = vector.broadcast %add3A_567 : i32 to vector<16xi32>
      %add3A_569 = arith.addi %mul3A_565, %add3A_568 : vector<16xi32>
      %gather3A_570 = tpu.vector_load_idx %arg4[%add3A_569] : memref<3328xi32, #tpu.memory_space<vmem>>[vector<16xi32>], vector<16xi32>,
      %ge3A_571 = vector.broadcast %mul3A_422 : i32 to vector<16xi32>
      %ge3A_572 = arith.cmpi sge, %gather3A_570, %ge3A_571 : vector<16xi32>
      %add3A_573 = arith.constant 200 : i32
      %add3A_574 = arith.addi %mul3A_422, %add3A_573 : i32
      %lt3A_575 = vector.broadcast %add3A_574 : i32 to vector<16xi32>
      %lt3A_576 = arith.cmpi slt, %gather3A_570, %lt3A_575 : vector<16xi32>
      %and3A_577 = arith.andi %ge3A_572, %lt3A_576 : vector<16xi1>
      %sub3A_578 = vector.broadcast %mul3A_422 : i32 to vector<16xi32>
      %sub3A_579 = arith.subi %gather3A_570, %sub3A_578 : vector<16xi32>
      %add3A_580 = arith.constant 112 : i32
      %add3A_581 = vector.broadcast %add3A_580 : i32 to vector<16xi32>
      %add3A_582 = arith.addi %iota3A, %add3A_581 : vector<16xi32>
      tpu.vector_store_idx %arg5[%sub3A_579, %add3A_582], %broadcast_in_dim3A_5 masked %and3A_577 : memref<200x128xf32, #tpu.memory_space<vmem>>[vector<16xi32>, vector<16xi32>], vector<16xf32>, vector<16xi1>
      %jit3A_583 = arith.constant 5 : i32
      %div3A_584 = arith.divsi %add3A_376, %jit3A_583 : i32
      %sign3A_585 = arith.constant 0 : i32
      %sign3A_586 = arith.cmpi sgt, %add3A_376, %sign3A_585 : i32
      %sign3A_587 = arith.extui %sign3A_586 : i1 to i32
      %sign3A_588 = arith.constant 0 : i32
      %sign3A_589 = arith.cmpi slt, %add3A_376, %sign3A_588 : i32
      %sign3A_590 = arith.extui %sign3A_589 : i1 to i32
      %sign3A_591 = arith.subi %sign3A_587, %sign3A_590 : i32
      %sign3A_592 = arith.constant 0 : i32
      %sign3A_593 = arith.cmpi sgt, %jit3A_583, %sign3A_592 : i32
      %sign3A_594 = arith.extui %sign3A_593 : i1 to i32
      %sign3A_595 = arith.constant 0 : i32
      %sign3A_596 = arith.cmpi slt, %jit3A_583, %sign3A_595 : i32
      %sign3A_597 = arith.extui %sign3A_596 : i1 to i32
      %sign3A_598 = arith.subi %sign3A_594, %sign3A_597 : i32
      %ne3A_599 = arith.cmpi ne, %sign3A_591, %sign3A_598 : i32
      %rem3A_600 = arith.remsi %add3A_376, %jit3A_583 : i32
      %ne3A_601 = arith.constant 0 : i32
      %ne3A_602 = arith.cmpi ne, %rem3A_600, %ne3A_601 : i32
      %and3A_603 = arith.andi %ne3A_599, %ne3A_602 : i1
      %sub3A_604 = arith.constant 1 : i32
      %sub3A_605 = arith.subi %div3A_584, %sub3A_604 : i32
      %select_n3A_606 = arith.select %and3A_603, %sub3A_605, %div3A_584 : i32
      %jit3A_607 = arith.constant 5 : i32
      %eq3A_608 = arith.constant 0 : i32
      %eq3A_609 = arith.cmpi eq, %jit3A_607, %eq3A_608 : i32
      %jit3A_610 = arith.constant 1 : i32
      %select_n3A_611 = arith.select %eq3A_609, %jit3A_610, %jit3A_607 : i32
      %rem3A_612 = arith.remsi %add3A_376, %select_n3A_611 : i32
      %ne3A_613 = arith.constant 0 : i32
      %ne3A_614 = arith.cmpi ne, %rem3A_612, %ne3A_613 : i32
      %lt3A_615 = arith.constant 0 : i32
      %lt3A_616 = arith.cmpi slt, %rem3A_612, %lt3A_615 : i32
      %lt3A_617 = arith.constant 0 : i32
      %lt3A_618 = arith.cmpi slt, %select_n3A_611, %lt3A_617 : i32
      %ne3A_619 = arith.xori %lt3A_616, %lt3A_618 : i1
      %and3A_620 = arith.andi %ne3A_619, %ne3A_614 : i1
      %add3A_621 = arith.addi %rem3A_612, %select_n3A_611 : i32
      %select_n3A_622 = arith.select %and3A_620, %add3A_621, %rem3A_612 : i32
      %mul3A_623 = arith.constant 200 : i32
      %mul3A_624 = arith.muli %select_n3A_622, %mul3A_623 : i32
      %mul3A_625 = arith.constant 26 : i32
      %mul3A_626 = vector.broadcast %mul3A_625 : i32 to vector<16xi32>
      %mul3A_627 = arith.muli %iota3A, %mul3A_626 : vector<16xi32>
      %add3A_628 = arith.constant 0 : i32
      %add3A_629 = arith.addi %add3A_628, %select_n3A_606 : i32
      %add3A_630 = vector.broadcast %add3A_629 : i32 to vector<16xi32>
      %add3A_631 = arith.addi %mul3A_627, %add3A_630 : vector<16xi32>
      %gather3A_632 = tpu.vector_load_idx %arg4[%add3A_631] : memref<3328xi32, #tpu.memory_space<vmem>>[vector<16xi32>], vector<16xi32>,
      %ge3A_633 = vector.broadcast %mul3A_624 : i32 to vector<16xi32>
      %ge3A_634 = arith.cmpi sge, %gather3A_632, %ge3A_633 : vector<16xi32>
      %add3A_635 = arith.constant 200 : i32
      %add3A_636 = arith.addi %mul3A_624, %add3A_635 : i32
      %lt3A_637 = vector.broadcast %add3A_636 : i32 to vector<16xi32>
      %lt3A_638 = arith.cmpi slt, %gather3A_632, %lt3A_637 : vector<16xi32>
      %and3A_639 = arith.andi %ge3A_634, %lt3A_638 : vector<16xi1>
      %sub3A_640 = vector.broadcast %mul3A_624 : i32 to vector<16xi32>
      %sub3A_641 = arith.subi %gather3A_632, %sub3A_640 : vector<16xi32>
      %add3A_642 = arith.constant 0 : i32
      %add3A_643 = vector.broadcast %add3A_642 : i32 to vector<16xi32>
      %add3A_644 = arith.addi %iota3A, %add3A_643 : vector<16xi32>
      tpu.vector_store_idx %arg5[%sub3A_641, %add3A_644], %broadcast_in_dim3A_7 masked %and3A_639 : memref<200x128xf32, #tpu.memory_space<vmem>>[vector<16xi32>, vector<16xi32>], vector<16xf32>, vector<16xi1>
      %mul3A_645 = arith.constant 26 : i32
      %mul3A_646 = vector.broadcast %mul3A_645 : i32 to vector<16xi32>
      %mul3A_647 = arith.muli %iota3A, %mul3A_646 : vector<16xi32>
      %add3A_648 = arith.constant 416 : i32
      %add3A_649 = arith.addi %add3A_648, %select_n3A_606 : i32
      %add3A_650 = vector.broadcast %add3A_649 : i32 to vector<16xi32>
      %add3A_651 = arith.addi %mul3A_647, %add3A_650 : vector<16xi32>
      %gather3A_652 = tpu.vector_load_idx %arg4[%add3A_651] : memref<3328xi32, #tpu.memory_space<vmem>>[vector<16xi32>], vector<16xi32>,
      %ge3A_653 = vector.broadcast %mul3A_624 : i32 to vector<16xi32>
      %ge3A_654 = arith.cmpi sge, %gather3A_652, %ge3A_653 : vector<16xi32>
      %add3A_655 = arith.constant 200 : i32
      %add3A_656 = arith.addi %mul3A_624, %add3A_655 : i32
      %lt3A_657 = vector.broadcast %add3A_656 : i32 to vector<16xi32>
      %lt3A_658 = arith.cmpi slt, %gather3A_652, %lt3A_657 : vector<16xi32>
      %and3A_659 = arith.andi %ge3A_654, %lt3A_658 : vector<16xi1>
      %sub3A_660 = vector.broadcast %mul3A_624 : i32 to vector<16xi32>
      %sub3A_661 = arith.subi %gather3A_652, %sub3A_660 : vector<16xi32>
      %add3A_662 = arith.constant 16 : i32
      %add3A_663 = vector.broadcast %add3A_662 : i32 to vector<16xi32>
      %add3A_664 = arith.addi %iota3A, %add3A_663 : vector<16xi32>
      tpu.vector_store_idx %arg5[%sub3A_661, %add3A_664], %broadcast_in_dim3A_7 masked %and3A_659 : memref<200x128xf32, #tpu.memory_space<vmem>>[vector<16xi32>, vector<16xi32>], vector<16xf32>, vector<16xi1>
      %mul3A_665 = arith.constant 26 : i32
      %mul3A_666 = vector.broadcast %mul3A_665 : i32 to vector<16xi32>
      %mul3A_667 = arith.muli %iota3A, %mul3A_666 : vector<16xi32>
      %add3A_668 = arith.constant 832 : i32
      %add3A_669 = arith.addi %add3A_668, %select_n3A_606 : i32
      %add3A_670 = vector.broadcast %add3A_669 : i32 to vector<16xi32>
      %add3A_671 = arith.addi %mul3A_667, %add3A_670 : vector<16xi32>
      %gather3A_672 = tpu.vector_load_idx %arg4[%add3A_671] : memref<3328xi32, #tpu.memory_space<vmem>>[vector<16xi32>], vector<16xi32>,
      %ge3A_673 = vector.broadcast %mul3A_624 : i32 to vector<16xi32>
      %ge3A_674 = arith.cmpi sge, %gather3A_672, %ge3A_673 : vector<16xi32>
      %add3A_675 = arith.constant 200 : i32
      %add3A_676 = arith.addi %mul3A_624, %add3A_675 : i32
      %lt3A_677 = vector.broadcast %add3A_676 : i32 to vector<16xi32>
      %lt3A_678 = arith.cmpi slt, %gather3A_672, %lt3A_677 : vector<16xi32>
      %and3A_679 = arith.andi %ge3A_674, %lt3A_678 : vector<16xi1>
      %sub3A_680 = vector.broadcast %mul3A_624 : i32 to vector<16xi32>
      %sub3A_681 = arith.subi %gather3A_672, %sub3A_680 : vector<16xi32>
      %add3A_682 = arith.constant 32 : i32
      %add3A_683 = vector.broadcast %add3A_682 : i32 to vector<16xi32>
      %add3A_684 = arith.addi %iota3A, %add3A_683 : vector<16xi32>
      tpu.vector_store_idx %arg5[%sub3A_681, %add3A_684], %broadcast_in_dim3A_7 masked %and3A_679 : memref<200x128xf32, #tpu.memory_space<vmem>>[vector<16xi32>, vector<16xi32>], vector<16xf32>, vector<16xi1>
      %mul3A_685 = arith.constant 26 : i32
      %mul3A_686 = vector.broadcast %mul3A_685 : i32 to vector<16xi32>
      %mul3A_687 = arith.muli %iota3A, %mul3A_686 : vector<16xi32>
      %add3A_688 = arith.constant 1248 : i32
      %add3A_689 = arith.addi %add3A_688, %select_n3A_606 : i32
      %add3A_690 = vector.broadcast %add3A_689 : i32 to vector<16xi32>
      %add3A_691 = arith.addi %mul3A_687, %add3A_690 : vector<16xi32>
      %gather3A_692 = tpu.vector_load_idx %arg4[%add3A_691] : memref<3328xi32, #tpu.memory_space<vmem>>[vector<16xi32>], vector<16xi32>,
      %ge3A_693 = vector.broadcast %mul3A_624 : i32 to vector<16xi32>
      %ge3A_694 = arith.cmpi sge, %gather3A_692, %ge3A_693 : vector<16xi32>
      %add3A_695 = arith.constant 200 : i32
      %add3A_696 = arith.addi %mul3A_624, %add3A_695 : i32
      %lt3A_697 = vector.broadcast %add3A_696 : i32 to vector<16xi32>
      %lt3A_698 = arith.cmpi slt, %gather3A_692, %lt3A_697 : vector<16xi32>
      %and3A_699 = arith.andi %ge3A_694, %lt3A_698 : vector<16xi1>
      %sub3A_700 = vector.broadcast %mul3A_624 : i32 to vector<16xi32>
      %sub3A_701 = arith.subi %gather3A_692, %sub3A_700 : vector<16xi32>
      %add3A_702 = arith.constant 48 : i32
      %add3A_703 = vector.broadcast %add3A_702 : i32 to vector<16xi32>
      %add3A_704 = arith.addi %iota3A, %add3A_703 : vector<16xi32>
      tpu.vector_store_idx %arg5[%sub3A_701, %add3A_704], %broadcast_in_dim3A_7 masked %and3A_699 : memref<200x128xf32, #tpu.memory_space<vmem>>[vector<16xi32>, vector<16xi32>], vector<16xf32>, vector<16xi1>
      %mul3A_705 = arith.constant 26 : i32
      %mul3A_706 = vector.broadcast %mul3A_705 : i32 to vector<16xi32>
      %mul3A_707 = arith.muli %iota3A, %mul3A_706 : vector<16xi32>
      %add3A_708 = arith.constant 1664 : i32
      %add3A_709 = arith.addi %add3A_708, %select_n3A_606 : i32
      %add3A_710 = vector.broadcast %add3A_709 : i32 to vector<16xi32>
      %add3A_711 = arith.addi %mul3A_707, %add3A_710 : vector<16xi32>
      %gather3A_712 = tpu.vector_load_idx %arg4[%add3A_711] : memref<3328xi32, #tpu.memory_space<vmem>>[vector<16xi32>], vector<16xi32>,
      %ge3A_713 = vector.broadcast %mul3A_624 : i32 to vector<16xi32>
      %ge3A_714 = arith.cmpi sge, %gather3A_712, %ge3A_713 : vector<16xi32>
      %add3A_715 = arith.constant 200 : i32
      %add3A_716 = arith.addi %mul3A_624, %add3A_715 : i32
      %lt3A_717 = vector.broadcast %add3A_716 : i32 to vector<16xi32>
      %lt3A_718 = arith.cmpi slt, %gather3A_712, %lt3A_717 : vector<16xi32>
      %and3A_719 = arith.andi %ge3A_714, %lt3A_718 : vector<16xi1>
      %sub3A_720 = vector.broadcast %mul3A_624 : i32 to vector<16xi32>
      %sub3A_721 = arith.subi %gather3A_712, %sub3A_720 : vector<16xi32>
      %add3A_722 = arith.constant 64 : i32
      %add3A_723 = vector.broadcast %add3A_722 : i32 to vector<16xi32>
      %add3A_724 = arith.addi %iota3A, %add3A_723 : vector<16xi32>
      tpu.vector_store_idx %arg5[%sub3A_721, %add3A_724], %broadcast_in_dim3A_7 masked %and3A_719 : memref<200x128xf32, #tpu.memory_space<vmem>>[vector<16xi32>, vector<16xi32>], vector<16xf32>, vector<16xi1>
      %mul3A_725 = arith.constant 26 : i32
      %mul3A_726 = vector.broadcast %mul3A_725 : i32 to vector<16xi32>
      %mul3A_727 = arith.muli %iota3A, %mul3A_726 : vector<16xi32>
      %add3A_728 = arith.constant 2080 : i32
      %add3A_729 = arith.addi %add3A_728, %select_n3A_606 : i32
      %add3A_730 = vector.broadcast %add3A_729 : i32 to vector<16xi32>
      %add3A_731 = arith.addi %mul3A_727, %add3A_730 : vector<16xi32>
      %gather3A_732 = tpu.vector_load_idx %arg4[%add3A_731] : memref<3328xi32, #tpu.memory_space<vmem>>[vector<16xi32>], vector<16xi32>,
      %ge3A_733 = vector.broadcast %mul3A_624 : i32 to vector<16xi32>
      %ge3A_734 = arith.cmpi sge, %gather3A_732, %ge3A_733 : vector<16xi32>
      %add3A_735 = arith.constant 200 : i32
      %add3A_736 = arith.addi %mul3A_624, %add3A_735 : i32
      %lt3A_737 = vector.broadcast %add3A_736 : i32 to vector<16xi32>
      %lt3A_738 = arith.cmpi slt, %gather3A_732, %lt3A_737 : vector<16xi32>
      %and3A_739 = arith.andi %ge3A_734, %lt3A_738 : vector<16xi1>
      %sub3A_740 = vector.broadcast %mul3A_624 : i32 to vector<16xi32>
      %sub3A_741 = arith.subi %gather3A_732, %sub3A_740 : vector<16xi32>
      %add3A_742 = arith.constant 80 : i32
      %add3A_743 = vector.broadcast %add3A_742 : i32 to vector<16xi32>
      %add3A_744 = arith.addi %iota3A, %add3A_743 : vector<16xi32>
      tpu.vector_store_idx %arg5[%sub3A_741, %add3A_744], %broadcast_in_dim3A_7 masked %and3A_739 : memref<200x128xf32, #tpu.memory_space<vmem>>[vector<16xi32>, vector<16xi32>], vector<16xf32>, vector<16xi1>
      %mul3A_745 = arith.constant 26 : i32
      %mul3A_746 = vector.broadcast %mul3A_745 : i32 to vector<16xi32>
      %mul3A_747 = arith.muli %iota3A, %mul3A_746 : vector<16xi32>
      %add3A_748 = arith.constant 2496 : i32
      %add3A_749 = arith.addi %add3A_748, %select_n3A_606 : i32
      %add3A_750 = vector.broadcast %add3A_749 : i32 to vector<16xi32>
      %add3A_751 = arith.addi %mul3A_747, %add3A_750 : vector<16xi32>
      %gather3A_752 = tpu.vector_load_idx %arg4[%add3A_751] : memref<3328xi32, #tpu.memory_space<vmem>>[vector<16xi32>], vector<16xi32>,
      %ge3A_753 = vector.broadcast %mul3A_624 : i32 to vector<16xi32>
      %ge3A_754 = arith.cmpi sge, %gather3A_752, %ge3A_753 : vector<16xi32>
      %add3A_755 = arith.constant 200 : i32
      %add3A_756 = arith.addi %mul3A_624, %add3A_755 : i32
      %lt3A_757 = vector.broadcast %add3A_756 : i32 to vector<16xi32>
      %lt3A_758 = arith.cmpi slt, %gather3A_752, %lt3A_757 : vector<16xi32>
      %and3A_759 = arith.andi %ge3A_754, %lt3A_758 : vector<16xi1>
      %sub3A_760 = vector.broadcast %mul3A_624 : i32 to vector<16xi32>
      %sub3A_761 = arith.subi %gather3A_752, %sub3A_760 : vector<16xi32>
      %add3A_762 = arith.constant 96 : i32
      %add3A_763 = vector.broadcast %add3A_762 : i32 to vector<16xi32>
      %add3A_764 = arith.addi %iota3A, %add3A_763 : vector<16xi32>
      tpu.vector_store_idx %arg5[%sub3A_761, %add3A_764], %broadcast_in_dim3A_7 masked %and3A_759 : memref<200x128xf32, #tpu.memory_space<vmem>>[vector<16xi32>, vector<16xi32>], vector<16xf32>, vector<16xi1>
      %mul3A_765 = arith.constant 26 : i32
      %mul3A_766 = vector.broadcast %mul3A_765 : i32 to vector<16xi32>
      %mul3A_767 = arith.muli %iota3A, %mul3A_766 : vector<16xi32>
      %add3A_768 = arith.constant 2912 : i32
      %add3A_769 = arith.addi %add3A_768, %select_n3A_606 : i32
      %add3A_770 = vector.broadcast %add3A_769 : i32 to vector<16xi32>
      %add3A_771 = arith.addi %mul3A_767, %add3A_770 : vector<16xi32>
      %gather3A_772 = tpu.vector_load_idx %arg4[%add3A_771] : memref<3328xi32, #tpu.memory_space<vmem>>[vector<16xi32>], vector<16xi32>,
      %ge3A_773 = vector.broadcast %mul3A_624 : i32 to vector<16xi32>
      %ge3A_774 = arith.cmpi sge, %gather3A_772, %ge3A_773 : vector<16xi32>
      %add3A_775 = arith.constant 200 : i32
      %add3A_776 = arith.addi %mul3A_624, %add3A_775 : i32
      %lt3A_777 = vector.broadcast %add3A_776 : i32 to vector<16xi32>
      %lt3A_778 = arith.cmpi slt, %gather3A_772, %lt3A_777 : vector<16xi32>
      %and3A_779 = arith.andi %ge3A_774, %lt3A_778 : vector<16xi1>
      %sub3A_780 = vector.broadcast %mul3A_624 : i32 to vector<16xi32>
      %sub3A_781 = arith.subi %gather3A_772, %sub3A_780 : vector<16xi32>
      %add3A_782 = arith.constant 112 : i32
      %add3A_783 = vector.broadcast %add3A_782 : i32 to vector<16xi32>
      %add3A_784 = arith.addi %iota3A, %add3A_783 : vector<16xi32>
      tpu.vector_store_idx %arg5[%sub3A_781, %add3A_784], %broadcast_in_dim3A_7 masked %and3A_779 : memref<200x128xf32, #tpu.memory_space<vmem>>[vector<16xi32>, vector<16xi32>], vector<16xf32>, vector<16xi1>
      %jit3A_785 = arith.constant 5 : i32
      %div3A_786 = arith.divsi %add3A_376, %jit3A_785 : i32
      %sign3A_787 = arith.constant 0 : i32
      %sign3A_788 = arith.cmpi sgt, %add3A_376, %sign3A_787 : i32
      %sign3A_789 = arith.extui %sign3A_788 : i1 to i32
      %sign3A_790 = arith.constant 0 : i32
      %sign3A_791 = arith.cmpi slt, %add3A_376, %sign3A_790 : i32
      %sign3A_792 = arith.extui %sign3A_791 : i1 to i32
      %sign3A_793 = arith.subi %sign3A_789, %sign3A_792 : i32
      %sign3A_794 = arith.constant 0 : i32
      %sign3A_795 = arith.cmpi sgt, %jit3A_785, %sign3A_794 : i32
      %sign3A_796 = arith.extui %sign3A_795 : i1 to i32
      %sign3A_797 = arith.constant 0 : i32
      %sign3A_798 = arith.cmpi slt, %jit3A_785, %sign3A_797 : i32
      %sign3A_799 = arith.extui %sign3A_798 : i1 to i32
      %sign3A_800 = arith.subi %sign3A_796, %sign3A_799 : i32
      %ne3A_801 = arith.cmpi ne, %sign3A_793, %sign3A_800 : i32
      %rem3A_802 = arith.remsi %add3A_376, %jit3A_785 : i32
      %ne3A_803 = arith.constant 0 : i32
      %ne3A_804 = arith.cmpi ne, %rem3A_802, %ne3A_803 : i32
      %and3A_805 = arith.andi %ne3A_801, %ne3A_804 : i1
      %sub3A_806 = arith.constant 1 : i32
      %sub3A_807 = arith.subi %div3A_786, %sub3A_806 : i32
      %select_n3A_808 = arith.select %and3A_805, %sub3A_807, %div3A_786 : i32
      %jit3A_809 = arith.constant 5 : i32
      %eq3A_810 = arith.constant 0 : i32
      %eq3A_811 = arith.cmpi eq, %jit3A_809, %eq3A_810 : i32
      %jit3A_812 = arith.constant 1 : i32
      %select_n3A_813 = arith.select %eq3A_811, %jit3A_812, %jit3A_809 : i32
      %rem3A_814 = arith.remsi %add3A_376, %select_n3A_813 : i32
      %ne3A_815 = arith.constant 0 : i32
      %ne3A_816 = arith.cmpi ne, %rem3A_814, %ne3A_815 : i32
      %lt3A_817 = arith.constant 0 : i32
      %lt3A_818 = arith.cmpi slt, %rem3A_814, %lt3A_817 : i32
      %lt3A_819 = arith.constant 0 : i32
      %lt3A_820 = arith.cmpi slt, %select_n3A_813, %lt3A_819 : i32
      %ne3A_821 = arith.xori %lt3A_818, %lt3A_820 : i1
      %and3A_822 = arith.andi %ne3A_821, %ne3A_816 : i1
      %add3A_823 = arith.addi %rem3A_814, %select_n3A_813 : i32
      %select_n3A_824 = arith.select %and3A_822, %add3A_823, %rem3A_814 : i32
      %mul3A_825 = arith.constant 200 : i32
      %mul3A_826 = arith.muli %select_n3A_824, %mul3A_825 : i32
      %dma_start3A_827 = tpu.memref_slice %arg3[%select_n3A_808, %mul3A_826, %mul3A_2] : memref<26x1000x4096xf32, #tpu.memory_space<hbm>> -> memref<1x200x128xf32, #tpu.memory_space<hbm>>
      %dma_start3A_828 = tpu.memref_squeeze %dma_start3A_827 : memref<1x200x128xf32, #tpu.memory_space<hbm>> -> memref<200x128xf32, #tpu.memory_space<hbm>>
      %dma_start3A_829 = tpu.memref_slice %arg3[%select_n3A_808, %mul3A_826, %mul3A_2] : memref<26x1000x4096xf32, #tpu.memory_space<hbm>> -> memref<1x200x128xf32, #tpu.memory_space<hbm>>
      %dma_start3A_830 = tpu.memref_squeeze %dma_start3A_829 : memref<1x200x128xf32, #tpu.memory_space<hbm>> -> memref<200x128xf32, #tpu.memory_space<hbm>>
      tpu.enqueue_dma source(%arg5 : memref<200x128xf32, #tpu.memory_space<vmem>>) target(%dma_start3A_830 : memref<200x128xf32, #tpu.memory_space<hbm>>) target_semaphore(%arg7 : memref<!tpu.dma_semaphore, #tpu.memory_space<semaphore_mem>>)
      %mul3A_831 = arith.constant 2 : i32
      %mul3A_832 = arith.muli %scan3A_372, %mul3A_831 : i32
      %add3A_833 = arith.constant 1 : i32
      %add3A_834 = arith.addi %mul3A_832, %add3A_833 : i32
      %dma_wait3A_835 = arith.constant 0 : i32
      %dma_wait3A_836 = arith.constant 0 : i32
      %dma_wait3A_837 = arith.constant 0 : i32
      %dma_wait3A_838 = tpu.memref_slice %arg3[%dma_wait3A_835, %dma_wait3A_836, %dma_wait3A_837] : memref<26x1000x4096xf32, #tpu.memory_space<hbm>> -> memref<1x200x128xf32, #tpu.memory_space<hbm>>
      %dma_wait3A_839 = tpu.memref_squeeze %dma_wait3A_838 : memref<1x200x128xf32, #tpu.memory_space<hbm>> -> memref<200x128xf32, #tpu.memory_space<hbm>>
      %dma_wait3A_840 = arith.constant 0 : i32
      %dma_wait3A_841 = arith.constant 0 : i32
      %dma_wait3A_842 = tpu.memref_slice %arg3[%dma_wait3A_835, %dma_wait3A_840, %dma_wait3A_841] : memref<26x1000x4096xf32, #tpu.memory_space<hbm>> -> memref<1x200x128xf32, #tpu.memory_space<hbm>>
      %dma_wait3A_843 = tpu.memref_squeeze %dma_wait3A_842 : memref<1x200x128xf32, #tpu.memory_space<hbm>> -> memref<200x128xf32, #tpu.memory_space<hbm>>
      tpu.wait_dma2 semaphore(%arg8 : memref<!tpu.dma_semaphore, #tpu.memory_space<semaphore_mem>>) src(%arg6 : memref<200x128xf32, #tpu.memory_space<vmem>>) dst(%dma_wait3A_843 : memref<200x128xf32, #tpu.memory_space<hbm>>)
      %sub3A_844 = arith.constant 2 : i32
      %sub3A_845 = arith.subi %add3A_834, %sub3A_844 : i32
      %jit3A_846 = arith.constant 5 : i32
      %div3A_847 = arith.divsi %sub3A_845, %jit3A_846 : i32
      %sign3A_848 = arith.constant 0 : i32
      %sign3A_849 = arith.cmpi sgt, %sub3A_845, %sign3A_848 : i32
      %sign3A_850 = arith.extui %sign3A_849 : i1 to i32
      %sign3A_851 = arith.constant 0 : i32
      %sign3A_852 = arith.cmpi slt, %sub3A_845, %sign3A_851 : i32
      %sign3A_853 = arith.extui %sign3A_852 : i1 to i32
      %sign3A_854 = arith.subi %sign3A_850, %sign3A_853 : i32
      %sign3A_855 = arith.constant 0 : i32
      %sign3A_856 = arith.cmpi sgt, %jit3A_846, %sign3A_855 : i32
      %sign3A_857 = arith.extui %sign3A_856 : i1 to i32
      %sign3A_858 = arith.constant 0 : i32
      %sign3A_859 = arith.cmpi slt, %jit3A_846, %sign3A_858 : i32
      %sign3A_860 = arith.extui %sign3A_859 : i1 to i32
      %sign3A_861 = arith.subi %sign3A_857, %sign3A_860 : i32
      %ne3A_862 = arith.cmpi ne, %sign3A_854, %sign3A_861 : i32
      %rem3A_863 = arith.remsi %sub3A_845, %jit3A_846 : i32
      %ne3A_864 = arith.constant 0 : i32
      %ne3A_865 = arith.cmpi ne, %rem3A_863, %ne3A_864 : i32
      %and3A_866 = arith.andi %ne3A_862, %ne3A_865 : i1
      %sub3A_867 = arith.constant 1 : i32
      %sub3A_868 = arith.subi %div3A_847, %sub3A_867 : i32
      %select_n3A_869 = arith.select %and3A_866, %sub3A_868, %div3A_847 : i32
      %jit3A_870 = arith.constant 5 : i32
      %eq3A_871 = arith.constant 0 : i32
      %eq3A_872 = arith.cmpi eq, %jit3A_870, %eq3A_871 : i32
      %jit3A_873 = arith.constant 1 : i32
      %select_n3A_874 = arith.select %eq3A_872, %jit3A_873, %jit3A_870 : i32
      %rem3A_875 = arith.remsi %sub3A_845, %select_n3A_874 : i32
      %ne3A_876 = arith.constant 0 : i32
      %ne3A_877 = arith.cmpi ne, %rem3A_875, %ne3A_876 : i32
      %lt3A_878 = arith.constant 0 : i32
      %lt3A_879 = arith.cmpi slt, %rem3A_875, %lt3A_878 : i32
      %lt3A_880 = arith.constant 0 : i32
      %lt3A_881 = arith.cmpi slt, %select_n3A_874, %lt3A_880 : i32
      %ne3A_882 = arith.xori %lt3A_879, %lt3A_881 : i1
      %and3A_883 = arith.andi %ne3A_882, %ne3A_877 : i1
      %add3A_884 = arith.addi %rem3A_875, %select_n3A_874 : i32
      %select_n3A_885 = arith.select %and3A_883, %add3A_884, %rem3A_875 : i32
      %mul3A_886 = arith.constant 200 : i32
      %mul3A_887 = arith.muli %select_n3A_885, %mul3A_886 : i32
      %mul3A_888 = arith.constant 26 : i32
      %mul3A_889 = vector.broadcast %mul3A_888 : i32 to vector<16xi32>
      %mul3A_890 = arith.muli %iota3A, %mul3A_889 : vector<16xi32>
      %add3A_891 = arith.constant 0 : i32
      %add3A_892 = arith.addi %add3A_891, %select_n3A_869 : i32
      %add3A_893 = vector.broadcast %add3A_892 : i32 to vector<16xi32>
      %add3A_894 = arith.addi %mul3A_890, %add3A_893 : vector<16xi32>
      %gather3A_895 = tpu.vector_load_idx %arg4[%add3A_894] : memref<3328xi32, #tpu.memory_space<vmem>>[vector<16xi32>], vector<16xi32>,
      %ge3A_896 = vector.broadcast %mul3A_887 : i32 to vector<16xi32>
      %ge3A_897 = arith.cmpi sge, %gather3A_895, %ge3A_896 : vector<16xi32>
      %add3A_898 = arith.constant 200 : i32
      %add3A_899 = arith.addi %mul3A_887, %add3A_898 : i32
      %lt3A_900 = vector.broadcast %add3A_899 : i32 to vector<16xi32>
      %lt3A_901 = arith.cmpi slt, %gather3A_895, %lt3A_900 : vector<16xi32>
      %and3A_902 = arith.andi %ge3A_897, %lt3A_901 : vector<16xi1>
      %sub3A_903 = vector.broadcast %mul3A_887 : i32 to vector<16xi32>
      %sub3A_904 = arith.subi %gather3A_895, %sub3A_903 : vector<16xi32>
      %add3A_905 = arith.constant 0 : i32
      %add3A_906 = vector.broadcast %add3A_905 : i32 to vector<16xi32>
      %add3A_907 = arith.addi %iota3A, %add3A_906 : vector<16xi32>
      tpu.vector_store_idx %arg6[%sub3A_904, %add3A_907], %broadcast_in_dim3A_5 masked %and3A_902 : memref<200x128xf32, #tpu.memory_space<vmem>>[vector<16xi32>, vector<16xi32>], vector<16xf32>, vector<16xi1>
      %mul3A_908 = arith.constant 26 : i32
      %mul3A_909 = vector.broadcast %mul3A_908 : i32 to vector<16xi32>
      %mul3A_910 = arith.muli %iota3A, %mul3A_909 : vector<16xi32>
      %add3A_911 = arith.constant 416 : i32
      %add3A_912 = arith.addi %add3A_911, %select_n3A_869 : i32
      %add3A_913 = vector.broadcast %add3A_912 : i32 to vector<16xi32>
      %add3A_914 = arith.addi %mul3A_910, %add3A_913 : vector<16xi32>
      %gather3A_915 = tpu.vector_load_idx %arg4[%add3A_914] : memref<3328xi32, #tpu.memory_space<vmem>>[vector<16xi32>], vector<16xi32>,
      %ge3A_916 = vector.broadcast %mul3A_887 : i32 to vector<16xi32>
      %ge3A_917 = arith.cmpi sge, %gather3A_915, %ge3A_916 : vector<16xi32>
      %add3A_918 = arith.constant 200 : i32
      %add3A_919 = arith.addi %mul3A_887, %add3A_918 : i32
      %lt3A_920 = vector.broadcast %add3A_919 : i32 to vector<16xi32>
      %lt3A_921 = arith.cmpi slt, %gather3A_915, %lt3A_920 : vector<16xi32>
      %and3A_922 = arith.andi %ge3A_917, %lt3A_921 : vector<16xi1>
      %sub3A_923 = vector.broadcast %mul3A_887 : i32 to vector<16xi32>
      %sub3A_924 = arith.subi %gather3A_915, %sub3A_923 : vector<16xi32>
      %add3A_925 = arith.constant 16 : i32
      %add3A_926 = vector.broadcast %add3A_925 : i32 to vector<16xi32>
      %add3A_927 = arith.addi %iota3A, %add3A_926 : vector<16xi32>
      tpu.vector_store_idx %arg6[%sub3A_924, %add3A_927], %broadcast_in_dim3A_5 masked %and3A_922 : memref<200x128xf32, #tpu.memory_space<vmem>>[vector<16xi32>, vector<16xi32>], vector<16xf32>, vector<16xi1>
      %mul3A_928 = arith.constant 26 : i32
      %mul3A_929 = vector.broadcast %mul3A_928 : i32 to vector<16xi32>
      %mul3A_930 = arith.muli %iota3A, %mul3A_929 : vector<16xi32>
      %add3A_931 = arith.constant 832 : i32
      %add3A_932 = arith.addi %add3A_931, %select_n3A_869 : i32
      %add3A_933 = vector.broadcast %add3A_932 : i32 to vector<16xi32>
      %add3A_934 = arith.addi %mul3A_930, %add3A_933 : vector<16xi32>
      %gather3A_935 = tpu.vector_load_idx %arg4[%add3A_934] : memref<3328xi32, #tpu.memory_space<vmem>>[vector<16xi32>], vector<16xi32>,
      %ge3A_936 = vector.broadcast %mul3A_887 : i32 to vector<16xi32>
      %ge3A_937 = arith.cmpi sge, %gather3A_935, %ge3A_936 : vector<16xi32>
      %add3A_938 = arith.constant 200 : i32
      %add3A_939 = arith.addi %mul3A_887, %add3A_938 : i32
      %lt3A_940 = vector.broadcast %add3A_939 : i32 to vector<16xi32>
      %lt3A_941 = arith.cmpi slt, %gather3A_935, %lt3A_940 : vector<16xi32>
      %and3A_942 = arith.andi %ge3A_937, %lt3A_941 : vector<16xi1>
      %sub3A_943 = vector.broadcast %mul3A_887 : i32 to vector<16xi32>
      %sub3A_944 = arith.subi %gather3A_935, %sub3A_943 : vector<16xi32>
      %add3A_945 = arith.constant 32 : i32
      %add3A_946 = vector.broadcast %add3A_945 : i32 to vector<16xi32>
      %add3A_947 = arith.addi %iota3A, %add3A_946 : vector<16xi32>
      tpu.vector_store_idx %arg6[%sub3A_944, %add3A_947], %broadcast_in_dim3A_5 masked %and3A_942 : memref<200x128xf32, #tpu.memory_space<vmem>>[vector<16xi32>, vector<16xi32>], vector<16xf32>, vector<16xi1>
      %mul3A_948 = arith.constant 26 : i32
      %mul3A_949 = vector.broadcast %mul3A_948 : i32 to vector<16xi32>
      %mul3A_950 = arith.muli %iota3A, %mul3A_949 : vector<16xi32>
      %add3A_951 = arith.constant 1248 : i32
      %add3A_952 = arith.addi %add3A_951, %select_n3A_869 : i32
      %add3A_953 = vector.broadcast %add3A_952 : i32 to vector<16xi32>
      %add3A_954 = arith.addi %mul3A_950, %add3A_953 : vector<16xi32>
      %gather3A_955 = tpu.vector_load_idx %arg4[%add3A_954] : memref<3328xi32, #tpu.memory_space<vmem>>[vector<16xi32>], vector<16xi32>,
      %ge3A_956 = vector.broadcast %mul3A_887 : i32 to vector<16xi32>
      %ge3A_957 = arith.cmpi sge, %gather3A_955, %ge3A_956 : vector<16xi32>
      %add3A_958 = arith.constant 200 : i32
      %add3A_959 = arith.addi %mul3A_887, %add3A_958 : i32
      %lt3A_960 = vector.broadcast %add3A_959 : i32 to vector<16xi32>
      %lt3A_961 = arith.cmpi slt, %gather3A_955, %lt3A_960 : vector<16xi32>
      %and3A_962 = arith.andi %ge3A_957, %lt3A_961 : vector<16xi1>
      %sub3A_963 = vector.broadcast %mul3A_887 : i32 to vector<16xi32>
      %sub3A_964 = arith.subi %gather3A_955, %sub3A_963 : vector<16xi32>
      %add3A_965 = arith.constant 48 : i32
      %add3A_966 = vector.broadcast %add3A_965 : i32 to vector<16xi32>
      %add3A_967 = arith.addi %iota3A, %add3A_966 : vector<16xi32>
      tpu.vector_store_idx %arg6[%sub3A_964, %add3A_967], %broadcast_in_dim3A_5 masked %and3A_962 : memref<200x128xf32, #tpu.memory_space<vmem>>[vector<16xi32>, vector<16xi32>], vector<16xf32>, vector<16xi1>
      %mul3A_968 = arith.constant 26 : i32
      %mul3A_969 = vector.broadcast %mul3A_968 : i32 to vector<16xi32>
      %mul3A_970 = arith.muli %iota3A, %mul3A_969 : vector<16xi32>
      %add3A_971 = arith.constant 1664 : i32
      %add3A_972 = arith.addi %add3A_971, %select_n3A_869 : i32
      %add3A_973 = vector.broadcast %add3A_972 : i32 to vector<16xi32>
      %add3A_974 = arith.addi %mul3A_970, %add3A_973 : vector<16xi32>
      %gather3A_975 = tpu.vector_load_idx %arg4[%add3A_974] : memref<3328xi32, #tpu.memory_space<vmem>>[vector<16xi32>], vector<16xi32>,
      %ge3A_976 = vector.broadcast %mul3A_887 : i32 to vector<16xi32>
      %ge3A_977 = arith.cmpi sge, %gather3A_975, %ge3A_976 : vector<16xi32>
      %add3A_978 = arith.constant 200 : i32
      %add3A_979 = arith.addi %mul3A_887, %add3A_978 : i32
      %lt3A_980 = vector.broadcast %add3A_979 : i32 to vector<16xi32>
      %lt3A_981 = arith.cmpi slt, %gather3A_975, %lt3A_980 : vector<16xi32>
      %and3A_982 = arith.andi %ge3A_977, %lt3A_981 : vector<16xi1>
      %sub3A_983 = vector.broadcast %mul3A_887 : i32 to vector<16xi32>
      %sub3A_984 = arith.subi %gather3A_975, %sub3A_983 : vector<16xi32>
      %add3A_985 = arith.constant 64 : i32
      %add3A_986 = vector.broadcast %add3A_985 : i32 to vector<16xi32>
      %add3A_987 = arith.addi %iota3A, %add3A_986 : vector<16xi32>
      tpu.vector_store_idx %arg6[%sub3A_984, %add3A_987], %broadcast_in_dim3A_5 masked %and3A_982 : memref<200x128xf32, #tpu.memory_space<vmem>>[vector<16xi32>, vector<16xi32>], vector<16xf32>, vector<16xi1>
      %mul3A_988 = arith.constant 26 : i32
      %mul3A_989 = vector.broadcast %mul3A_988 : i32 to vector<16xi32>
      %mul3A_990 = arith.muli %iota3A, %mul3A_989 : vector<16xi32>
      %add3A_991 = arith.constant 2080 : i32
      %add3A_992 = arith.addi %add3A_991, %select_n3A_869 : i32
      %add3A_993 = vector.broadcast %add3A_992 : i32 to vector<16xi32>
      %add3A_994 = arith.addi %mul3A_990, %add3A_993 : vector<16xi32>
      %gather3A_995 = tpu.vector_load_idx %arg4[%add3A_994] : memref<3328xi32, #tpu.memory_space<vmem>>[vector<16xi32>], vector<16xi32>,
      %ge3A_996 = vector.broadcast %mul3A_887 : i32 to vector<16xi32>
      %ge3A_997 = arith.cmpi sge, %gather3A_995, %ge3A_996 : vector<16xi32>
      %add3A_998 = arith.constant 200 : i32
      %add3A_999 = arith.addi %mul3A_887, %add3A_998 : i32
      %lt3A_1000 = vector.broadcast %add3A_999 : i32 to vector<16xi32>
      %lt3A_1001 = arith.cmpi slt, %gather3A_995, %lt3A_1000 : vector<16xi32>
      %and3A_1002 = arith.andi %ge3A_997, %lt3A_1001 : vector<16xi1>
      %sub3A_1003 = vector.broadcast %mul3A_887 : i32 to vector<16xi32>
      %sub3A_1004 = arith.subi %gather3A_995, %sub3A_1003 : vector<16xi32>
      %add3A_1005 = arith.constant 80 : i32
      %add3A_1006 = vector.broadcast %add3A_1005 : i32 to vector<16xi32>
      %add3A_1007 = arith.addi %iota3A, %add3A_1006 : vector<16xi32>
      tpu.vector_store_idx %arg6[%sub3A_1004, %add3A_1007], %broadcast_in_dim3A_5 masked %and3A_1002 : memref<200x128xf32, #tpu.memory_space<vmem>>[vector<16xi32>, vector<16xi32>], vector<16xf32>, vector<16xi1>
      %mul3A_1008 = arith.constant 26 : i32
      %mul3A_1009 = vector.broadcast %mul3A_1008 : i32 to vector<16xi32>
      %mul3A_1010 = arith.muli %iota3A, %mul3A_1009 : vector<16xi32>
      %add3A_1011 = arith.constant 2496 : i32
      %add3A_1012 = arith.addi %add3A_1011, %select_n3A_869 : i32
      %add3A_1013 = vector.broadcast %add3A_1012 : i32 to vector<16xi32>
      %add3A_1014 = arith.addi %mul3A_1010, %add3A_1013 : vector<16xi32>
      %gather3A_1015 = tpu.vector_load_idx %arg4[%add3A_1014] : memref<3328xi32, #tpu.memory_space<vmem>>[vector<16xi32>], vector<16xi32>,
      %ge3A_1016 = vector.broadcast %mul3A_887 : i32 to vector<16xi32>
      %ge3A_1017 = arith.cmpi sge, %gather3A_1015, %ge3A_1016 : vector<16xi32>
      %add3A_1018 = arith.constant 200 : i32
      %add3A_1019 = arith.addi %mul3A_887, %add3A_1018 : i32
      %lt3A_1020 = vector.broadcast %add3A_1019 : i32 to vector<16xi32>
      %lt3A_1021 = arith.cmpi slt, %gather3A_1015, %lt3A_1020 : vector<16xi32>
      %and3A_1022 = arith.andi %ge3A_1017, %lt3A_1021 : vector<16xi1>
      %sub3A_1023 = vector.broadcast %mul3A_887 : i32 to vector<16xi32>
      %sub3A_1024 = arith.subi %gather3A_1015, %sub3A_1023 : vector<16xi32>
      %add3A_1025 = arith.constant 96 : i32
      %add3A_1026 = vector.broadcast %add3A_1025 : i32 to vector<16xi32>
      %add3A_1027 = arith.addi %iota3A, %add3A_1026 : vector<16xi32>
      tpu.vector_store_idx %arg6[%sub3A_1024, %add3A_1027], %broadcast_in_dim3A_5 masked %and3A_1022 : memref<200x128xf32, #tpu.memory_space<vmem>>[vector<16xi32>, vector<16xi32>], vector<16xf32>, vector<16xi1>
      %mul3A_1028 = arith.constant 26 : i32
      %mul3A_1029 = vector.broadcast %mul3A_1028 : i32 to vector<16xi32>
      %mul3A_1030 = arith.muli %iota3A, %mul3A_1029 : vector<16xi32>
      %add3A_1031 = arith.constant 2912 : i32
      %add3A_1032 = arith.addi %add3A_1031, %select_n3A_869 : i32
      %add3A_1033 = vector.broadcast %add3A_1032 : i32 to vector<16xi32>
      %add3A_1034 = arith.addi %mul3A_1030, %add3A_1033 : vector<16xi32>
      %gather3A_1035 = tpu.vector_load_idx %arg4[%add3A_1034] : memref<3328xi32, #tpu.memory_space<vmem>>[vector<16xi32>], vector<16xi32>,
      %ge3A_1036 = vector.broadcast %mul3A_887 : i32 to vector<16xi32>
      %ge3A_1037 = arith.cmpi sge, %gather3A_1035, %ge3A_1036 : vector<16xi32>
      %add3A_1038 = arith.constant 200 : i32
      %add3A_1039 = arith.addi %mul3A_887, %add3A_1038 : i32
      %lt3A_1040 = vector.broadcast %add3A_1039 : i32 to vector<16xi32>
      %lt3A_1041 = arith.cmpi slt, %gather3A_1035, %lt3A_1040 : vector<16xi32>
      %and3A_1042 = arith.andi %ge3A_1037, %lt3A_1041 : vector<16xi1>
      %sub3A_1043 = vector.broadcast %mul3A_887 : i32 to vector<16xi32>
      %sub3A_1044 = arith.subi %gather3A_1035, %sub3A_1043 : vector<16xi32>
      %add3A_1045 = arith.constant 112 : i32
      %add3A_1046 = vector.broadcast %add3A_1045 : i32 to vector<16xi32>
      %add3A_1047 = arith.addi %iota3A, %add3A_1046 : vector<16xi32>
      tpu.vector_store_idx %arg6[%sub3A_1044, %add3A_1047], %broadcast_in_dim3A_5 masked %and3A_1042 : memref<200x128xf32, #tpu.memory_space<vmem>>[vector<16xi32>, vector<16xi32>], vector<16xf32>, vector<16xi1>
      %jit3A_1048 = arith.constant 5 : i32
      %div3A_1049 = arith.divsi %add3A_834, %jit3A_1048 : i32
      %sign3A_1050 = arith.constant 0 : i32
      %sign3A_1051 = arith.cmpi sgt, %add3A_834, %sign3A_1050 : i32
      %sign3A_1052 = arith.extui %sign3A_1051 : i1 to i32
      %sign3A_1053 = arith.constant 0 : i32
      %sign3A_1054 = arith.cmpi slt, %add3A_834, %sign3A_1053 : i32
      %sign3A_1055 = arith.extui %sign3A_1054 : i1 to i32
      %sign3A_1056 = arith.subi %sign3A_1052, %sign3A_1055 : i32
      %sign3A_1057 = arith.constant 0 : i32
      %sign3A_1058 = arith.cmpi sgt, %jit3A_1048, %sign3A_1057 : i32
      %sign3A_1059 = arith.extui %sign3A_1058 : i1 to i32
      %sign3A_1060 = arith.constant 0 : i32
      %sign3A_1061 = arith.cmpi slt, %jit3A_1048, %sign3A_1060 : i32
      %sign3A_1062 = arith.extui %sign3A_1061 : i1 to i32
      %sign3A_1063 = arith.subi %sign3A_1059, %sign3A_1062 : i32
      %ne3A_1064 = arith.cmpi ne, %sign3A_1056, %sign3A_1063 : i32
      %rem3A_1065 = arith.remsi %add3A_834, %jit3A_1048 : i32
      %ne3A_1066 = arith.constant 0 : i32
      %ne3A_1067 = arith.cmpi ne, %rem3A_1065, %ne3A_1066 : i32
      %and3A_1068 = arith.andi %ne3A_1064, %ne3A_1067 : i1
      %sub3A_1069 = arith.constant 1 : i32
      %sub3A_1070 = arith.subi %div3A_1049, %sub3A_1069 : i32
      %select_n3A_1071 = arith.select %and3A_1068, %sub3A_1070, %div3A_1049 : i32
      %jit3A_1072 = arith.constant 5 : i32
      %eq3A_1073 = arith.constant 0 : i32
      %eq3A_1074 = arith.cmpi eq, %jit3A_1072, %eq3A_1073 : i32
      %jit3A_1075 = arith.constant 1 : i32
      %select_n3A_1076 = arith.select %eq3A_1074, %jit3A_1075, %jit3A_1072 : i32
      %rem3A_1077 = arith.remsi %add3A_834, %select_n3A_1076 : i32
      %ne3A_1078 = arith.constant 0 : i32
      %ne3A_1079 = arith.cmpi ne, %rem3A_1077, %ne3A_1078 : i32
      %lt3A_1080 = arith.constant 0 : i32
      %lt3A_1081 = arith.cmpi slt, %rem3A_1077, %lt3A_1080 : i32
      %lt3A_1082 = arith.constant 0 : i32
      %lt3A_1083 = arith.cmpi slt, %select_n3A_1076, %lt3A_1082 : i32
      %ne3A_1084 = arith.xori %lt3A_1081, %lt3A_1083 : i1
      %and3A_1085 = arith.andi %ne3A_1084, %ne3A_1079 : i1
      %add3A_1086 = arith.addi %rem3A_1077, %select_n3A_1076 : i32
      %select_n3A_1087 = arith.select %and3A_1085, %add3A_1086, %rem3A_1077 : i32
      %mul3A_1088 = arith.constant 200 : i32
      %mul3A_1089 = arith.muli %select_n3A_1087, %mul3A_1088 : i32
      %mul3A_1090 = arith.constant 26 : i32
      %mul3A_1091 = vector.broadcast %mul3A_1090 : i32 to vector<16xi32>
      %mul3A_1092 = arith.muli %iota3A, %mul3A_1091 : vector<16xi32>
      %add3A_1093 = arith.constant 0 : i32
      %add3A_1094 = arith.addi %add3A_1093, %select_n3A_1071 : i32
      %add3A_1095 = vector.broadcast %add3A_1094 : i32 to vector<16xi32>
      %add3A_1096 = arith.addi %mul3A_1092, %add3A_1095 : vector<16xi32>
      %gather3A_1097 = tpu.vector_load_idx %arg4[%add3A_1096] : memref<3328xi32, #tpu.memory_space<vmem>>[vector<16xi32>], vector<16xi32>,
      %ge3A_1098 = vector.broadcast %mul3A_1089 : i32 to vector<16xi32>
      %ge3A_1099 = arith.cmpi sge, %gather3A_1097, %ge3A_1098 : vector<16xi32>
      %add3A_1100 = arith.constant 200 : i32
      %add3A_1101 = arith.addi %mul3A_1089, %add3A_1100 : i32
      %lt3A_1102 = vector.broadcast %add3A_1101 : i32 to vector<16xi32>
      %lt3A_1103 = arith.cmpi slt, %gather3A_1097, %lt3A_1102 : vector<16xi32>
      %and3A_1104 = arith.andi %ge3A_1099, %lt3A_1103 : vector<16xi1>
      %sub3A_1105 = vector.broadcast %mul3A_1089 : i32 to vector<16xi32>
      %sub3A_1106 = arith.subi %gather3A_1097, %sub3A_1105 : vector<16xi32>
      %add3A_1107 = arith.constant 0 : i32
      %add3A_1108 = vector.broadcast %add3A_1107 : i32 to vector<16xi32>
      %add3A_1109 = arith.addi %iota3A, %add3A_1108 : vector<16xi32>
      tpu.vector_store_idx %arg6[%sub3A_1106, %add3A_1109], %broadcast_in_dim3A_7 masked %and3A_1104 : memref<200x128xf32, #tpu.memory_space<vmem>>[vector<16xi32>, vector<16xi32>], vector<16xf32>, vector<16xi1>
      %mul3A_1110 = arith.constant 26 : i32
      %mul3A_1111 = vector.broadcast %mul3A_1110 : i32 to vector<16xi32>
      %mul3A_1112 = arith.muli %iota3A, %mul3A_1111 : vector<16xi32>
      %add3A_1113 = arith.constant 416 : i32
      %add3A_1114 = arith.addi %add3A_1113, %select_n3A_1071 : i32
      %add3A_1115 = vector.broadcast %add3A_1114 : i32 to vector<16xi32>
      %add3A_1116 = arith.addi %mul3A_1112, %add3A_1115 : vector<16xi32>
      %gather3A_1117 = tpu.vector_load_idx %arg4[%add3A_1116] : memref<3328xi32, #tpu.memory_space<vmem>>[vector<16xi32>], vector<16xi32>,
      %ge3A_1118 = vector.broadcast %mul3A_1089 : i32 to vector<16xi32>
      %ge3A_1119 = arith.cmpi sge, %gather3A_1117, %ge3A_1118 : vector<16xi32>
      %add3A_1120 = arith.constant 200 : i32
      %add3A_1121 = arith.addi %mul3A_1089, %add3A_1120 : i32
      %lt3A_1122 = vector.broadcast %add3A_1121 : i32 to vector<16xi32>
      %lt3A_1123 = arith.cmpi slt, %gather3A_1117, %lt3A_1122 : vector<16xi32>
      %and3A_1124 = arith.andi %ge3A_1119, %lt3A_1123 : vector<16xi1>
      %sub3A_1125 = vector.broadcast %mul3A_1089 : i32 to vector<16xi32>
      %sub3A_1126 = arith.subi %gather3A_1117, %sub3A_1125 : vector<16xi32>
      %add3A_1127 = arith.constant 16 : i32
      %add3A_1128 = vector.broadcast %add3A_1127 : i32 to vector<16xi32>
      %add3A_1129 = arith.addi %iota3A, %add3A_1128 : vector<16xi32>
      tpu.vector_store_idx %arg6[%sub3A_1126, %add3A_1129], %broadcast_in_dim3A_7 masked %and3A_1124 : memref<200x128xf32, #tpu.memory_space<vmem>>[vector<16xi32>, vector<16xi32>], vector<16xf32>, vector<16xi1>
      %mul3A_1130 = arith.constant 26 : i32
      %mul3A_1131 = vector.broadcast %mul3A_1130 : i32 to vector<16xi32>
      %mul3A_1132 = arith.muli %iota3A, %mul3A_1131 : vector<16xi32>
      %add3A_1133 = arith.constant 832 : i32
      %add3A_1134 = arith.addi %add3A_1133, %select_n3A_1071 : i32
      %add3A_1135 = vector.broadcast %add3A_1134 : i32 to vector<16xi32>
      %add3A_1136 = arith.addi %mul3A_1132, %add3A_1135 : vector<16xi32>
      %gather3A_1137 = tpu.vector_load_idx %arg4[%add3A_1136] : memref<3328xi32, #tpu.memory_space<vmem>>[vector<16xi32>], vector<16xi32>,
      %ge3A_1138 = vector.broadcast %mul3A_1089 : i32 to vector<16xi32>
      %ge3A_1139 = arith.cmpi sge, %gather3A_1137, %ge3A_1138 : vector<16xi32>
      %add3A_1140 = arith.constant 200 : i32
      %add3A_1141 = arith.addi %mul3A_1089, %add3A_1140 : i32
      %lt3A_1142 = vector.broadcast %add3A_1141 : i32 to vector<16xi32>
      %lt3A_1143 = arith.cmpi slt, %gather3A_1137, %lt3A_1142 : vector<16xi32>
      %and3A_1144 = arith.andi %ge3A_1139, %lt3A_1143 : vector<16xi1>
      %sub3A_1145 = vector.broadcast %mul3A_1089 : i32 to vector<16xi32>
      %sub3A_1146 = arith.subi %gather3A_1137, %sub3A_1145 : vector<16xi32>
      %add3A_1147 = arith.constant 32 : i32
      %add3A_1148 = vector.broadcast %add3A_1147 : i32 to vector<16xi32>
      %add3A_1149 = arith.addi %iota3A, %add3A_1148 : vector<16xi32>
      tpu.vector_store_idx %arg6[%sub3A_1146, %add3A_1149], %broadcast_in_dim3A_7 masked %and3A_1144 : memref<200x128xf32, #tpu.memory_space<vmem>>[vector<16xi32>, vector<16xi32>], vector<16xf32>, vector<16xi1>
      %mul3A_1150 = arith.constant 26 : i32
      %mul3A_1151 = vector.broadcast %mul3A_1150 : i32 to vector<16xi32>
      %mul3A_1152 = arith.muli %iota3A, %mul3A_1151 : vector<16xi32>
      %add3A_1153 = arith.constant 1248 : i32
      %add3A_1154 = arith.addi %add3A_1153, %select_n3A_1071 : i32
      %add3A_1155 = vector.broadcast %add3A_1154 : i32 to vector<16xi32>
      %add3A_1156 = arith.addi %mul3A_1152, %add3A_1155 : vector<16xi32>
      %gather3A_1157 = tpu.vector_load_idx %arg4[%add3A_1156] : memref<3328xi32, #tpu.memory_space<vmem>>[vector<16xi32>], vector<16xi32>,
      %ge3A_1158 = vector.broadcast %mul3A_1089 : i32 to vector<16xi32>
      %ge3A_1159 = arith.cmpi sge, %gather3A_1157, %ge3A_1158 : vector<16xi32>
      %add3A_1160 = arith.constant 200 : i32
      %add3A_1161 = arith.addi %mul3A_1089, %add3A_1160 : i32
      %lt3A_1162 = vector.broadcast %add3A_1161 : i32 to vector<16xi32>
      %lt3A_1163 = arith.cmpi slt, %gather3A_1157, %lt3A_1162 : vector<16xi32>
      %and3A_1164 = arith.andi %ge3A_1159, %lt3A_1163 : vector<16xi1>
      %sub3A_1165 = vector.broadcast %mul3A_1089 : i32 to vector<16xi32>
      %sub3A_1166 = arith.subi %gather3A_1157, %sub3A_1165 : vector<16xi32>
      %add3A_1167 = arith.constant 48 : i32
      %add3A_1168 = vector.broadcast %add3A_1167 : i32 to vector<16xi32>
      %add3A_1169 = arith.addi %iota3A, %add3A_1168 : vector<16xi32>
      tpu.vector_store_idx %arg6[%sub3A_1166, %add3A_1169], %broadcast_in_dim3A_7 masked %and3A_1164 : memref<200x128xf32, #tpu.memory_space<vmem>>[vector<16xi32>, vector<16xi32>], vector<16xf32>, vector<16xi1>
      %mul3A_1170 = arith.constant 26 : i32
      %mul3A_1171 = vector.broadcast %mul3A_1170 : i32 to vector<16xi32>
      %mul3A_1172 = arith.muli %iota3A, %mul3A_1171 : vector<16xi32>
      %add3A_1173 = arith.constant 1664 : i32
      %add3A_1174 = arith.addi %add3A_1173, %select_n3A_1071 : i32
      %add3A_1175 = vector.broadcast %add3A_1174 : i32 to vector<16xi32>
      %add3A_1176 = arith.addi %mul3A_1172, %add3A_1175 : vector<16xi32>
      %gather3A_1177 = tpu.vector_load_idx %arg4[%add3A_1176] : memref<3328xi32, #tpu.memory_space<vmem>>[vector<16xi32>], vector<16xi32>,
      %ge3A_1178 = vector.broadcast %mul3A_1089 : i32 to vector<16xi32>
      %ge3A_1179 = arith.cmpi sge, %gather3A_1177, %ge3A_1178 : vector<16xi32>
      %add3A_1180 = arith.constant 200 : i32
      %add3A_1181 = arith.addi %mul3A_1089, %add3A_1180 : i32
      %lt3A_1182 = vector.broadcast %add3A_1181 : i32 to vector<16xi32>
      %lt3A_1183 = arith.cmpi slt, %gather3A_1177, %lt3A_1182 : vector<16xi32>
      %and3A_1184 = arith.andi %ge3A_1179, %lt3A_1183 : vector<16xi1>
      %sub3A_1185 = vector.broadcast %mul3A_1089 : i32 to vector<16xi32>
      %sub3A_1186 = arith.subi %gather3A_1177, %sub3A_1185 : vector<16xi32>
      %add3A_1187 = arith.constant 64 : i32
      %add3A_1188 = vector.broadcast %add3A_1187 : i32 to vector<16xi32>
      %add3A_1189 = arith.addi %iota3A, %add3A_1188 : vector<16xi32>
      tpu.vector_store_idx %arg6[%sub3A_1186, %add3A_1189], %broadcast_in_dim3A_7 masked %and3A_1184 : memref<200x128xf32, #tpu.memory_space<vmem>>[vector<16xi32>, vector<16xi32>], vector<16xf32>, vector<16xi1>
      %mul3A_1190 = arith.constant 26 : i32
      %mul3A_1191 = vector.broadcast %mul3A_1190 : i32 to vector<16xi32>
      %mul3A_1192 = arith.muli %iota3A, %mul3A_1191 : vector<16xi32>
      %add3A_1193 = arith.constant 2080 : i32
      %add3A_1194 = arith.addi %add3A_1193, %select_n3A_1071 : i32
      %add3A_1195 = vector.broadcast %add3A_1194 : i32 to vector<16xi32>
      %add3A_1196 = arith.addi %mul3A_1192, %add3A_1195 : vector<16xi32>
      %gather3A_1197 = tpu.vector_load_idx %arg4[%add3A_1196] : memref<3328xi32, #tpu.memory_space<vmem>>[vector<16xi32>], vector<16xi32>,
      %ge3A_1198 = vector.broadcast %mul3A_1089 : i32 to vector<16xi32>
      %ge3A_1199 = arith.cmpi sge, %gather3A_1197, %ge3A_1198 : vector<16xi32>
      %add3A_1200 = arith.constant 200 : i32
      %add3A_1201 = arith.addi %mul3A_1089, %add3A_1200 : i32
      %lt3A_1202 = vector.broadcast %add3A_1201 : i32 to vector<16xi32>
      %lt3A_1203 = arith.cmpi slt, %gather3A_1197, %lt3A_1202 : vector<16xi32>
      %and3A_1204 = arith.andi %ge3A_1199, %lt3A_1203 : vector<16xi1>
      %sub3A_1205 = vector.broadcast %mul3A_1089 : i32 to vector<16xi32>
      %sub3A_1206 = arith.subi %gather3A_1197, %sub3A_1205 : vector<16xi32>
      %add3A_1207 = arith.constant 80 : i32
      %add3A_1208 = vector.broadcast %add3A_1207 : i32 to vector<16xi32>
      %add3A_1209 = arith.addi %iota3A, %add3A_1208 : vector<16xi32>
      tpu.vector_store_idx %arg6[%sub3A_1206, %add3A_1209], %broadcast_in_dim3A_7 masked %and3A_1204 : memref<200x128xf32, #tpu.memory_space<vmem>>[vector<16xi32>, vector<16xi32>], vector<16xf32>, vector<16xi1>
      %mul3A_1210 = arith.constant 26 : i32
      %mul3A_1211 = vector.broadcast %mul3A_1210 : i32 to vector<16xi32>
      %mul3A_1212 = arith.muli %iota3A, %mul3A_1211 : vector<16xi32>
      %add3A_1213 = arith.constant 2496 : i32
      %add3A_1214 = arith.addi %add3A_1213, %select_n3A_1071 : i32
      %add3A_1215 = vector.broadcast %add3A_1214 : i32 to vector<16xi32>
      %add3A_1216 = arith.addi %mul3A_1212, %add3A_1215 : vector<16xi32>
      %gather3A_1217 = tpu.vector_load_idx %arg4[%add3A_1216] : memref<3328xi32, #tpu.memory_space<vmem>>[vector<16xi32>], vector<16xi32>,
      %ge3A_1218 = vector.broadcast %mul3A_1089 : i32 to vector<16xi32>
      %ge3A_1219 = arith.cmpi sge, %gather3A_1217, %ge3A_1218 : vector<16xi32>
      %add3A_1220 = arith.constant 200 : i32
      %add3A_1221 = arith.addi %mul3A_1089, %add3A_1220 : i32
      %lt3A_1222 = vector.broadcast %add3A_1221 : i32 to vector<16xi32>
      %lt3A_1223 = arith.cmpi slt, %gather3A_1217, %lt3A_1222 : vector<16xi32>
      %and3A_1224 = arith.andi %ge3A_1219, %lt3A_1223 : vector<16xi1>
      %sub3A_1225 = vector.broadcast %mul3A_1089 : i32 to vector<16xi32>
      %sub3A_1226 = arith.subi %gather3A_1217, %sub3A_1225 : vector<16xi32>
      %add3A_1227 = arith.constant 96 : i32
      %add3A_1228 = vector.broadcast %add3A_1227 : i32 to vector<16xi32>
      %add3A_1229 = arith.addi %iota3A, %add3A_1228 : vector<16xi32>
      tpu.vector_store_idx %arg6[%sub3A_1226, %add3A_1229], %broadcast_in_dim3A_7 masked %and3A_1224 : memref<200x128xf32, #tpu.memory_space<vmem>>[vector<16xi32>, vector<16xi32>], vector<16xf32>, vector<16xi1>
      %mul3A_1230 = arith.constant 26 : i32
      %mul3A_1231 = vector.broadcast %mul3A_1230 : i32 to vector<16xi32>
      %mul3A_1232 = arith.muli %iota3A, %mul3A_1231 : vector<16xi32>
      %add3A_1233 = arith.constant 2912 : i32
      %add3A_1234 = arith.addi %add3A_1233, %select_n3A_1071 : i32
      %add3A_1235 = vector.broadcast %add3A_1234 : i32 to vector<16xi32>
      %add3A_1236 = arith.addi %mul3A_1232, %add3A_1235 : vector<16xi32>
      %gather3A_1237 = tpu.vector_load_idx %arg4[%add3A_1236] : memref<3328xi32, #tpu.memory_space<vmem>>[vector<16xi32>], vector<16xi32>,
      %ge3A_1238 = vector.broadcast %mul3A_1089 : i32 to vector<16xi32>
      %ge3A_1239 = arith.cmpi sge, %gather3A_1237, %ge3A_1238 : vector<16xi32>
      %add3A_1240 = arith.constant 200 : i32
      %add3A_1241 = arith.addi %mul3A_1089, %add3A_1240 : i32
      %lt3A_1242 = vector.broadcast %add3A_1241 : i32 to vector<16xi32>
      %lt3A_1243 = arith.cmpi slt, %gather3A_1237, %lt3A_1242 : vector<16xi32>
      %and3A_1244 = arith.andi %ge3A_1239, %lt3A_1243 : vector<16xi1>
      %sub3A_1245 = vector.broadcast %mul3A_1089 : i32 to vector<16xi32>
      %sub3A_1246 = arith.subi %gather3A_1237, %sub3A_1245 : vector<16xi32>
      %add3A_1247 = arith.constant 112 : i32
      %add3A_1248 = vector.broadcast %add3A_1247 : i32 to vector<16xi32>
      %add3A_1249 = arith.addi %iota3A, %add3A_1248 : vector<16xi32>
      tpu.vector_store_idx %arg6[%sub3A_1246, %add3A_1249], %broadcast_in_dim3A_7 masked %and3A_1244 : memref<200x128xf32, #tpu.memory_space<vmem>>[vector<16xi32>, vector<16xi32>], vector<16xf32>, vector<16xi1>
      %jit3A_1250 = arith.constant 5 : i32
      %div3A_1251 = arith.divsi %add3A_834, %jit3A_1250 : i32
      %sign3A_1252 = arith.constant 0 : i32
      %sign3A_1253 = arith.cmpi sgt, %add3A_834, %sign3A_1252 : i32
      %sign3A_1254 = arith.extui %sign3A_1253 : i1 to i32
      %sign3A_1255 = arith.constant 0 : i32
      %sign3A_1256 = arith.cmpi slt, %add3A_834, %sign3A_1255 : i32
      %sign3A_1257 = arith.extui %sign3A_1256 : i1 to i32
      %sign3A_1258 = arith.subi %sign3A_1254, %sign3A_1257 : i32
      %sign3A_1259 = arith.constant 0 : i32
      %sign3A_1260 = arith.cmpi sgt, %jit3A_1250, %sign3A_1259 : i32
      %sign3A_1261 = arith.extui %sign3A_1260 : i1 to i32
      %sign3A_1262 = arith.constant 0 : i32
      %sign3A_1263 = arith.cmpi slt, %jit3A_1250, %sign3A_1262 : i32
      %sign3A_1264 = arith.extui %sign3A_1263 : i1 to i32
      %sign3A_1265 = arith.subi %sign3A_1261, %sign3A_1264 : i32
      %ne3A_1266 = arith.cmpi ne, %sign3A_1258, %sign3A_1265 : i32
      %rem3A_1267 = arith.remsi %add3A_834, %jit3A_1250 : i32
      %ne3A_1268 = arith.constant 0 : i32
      %ne3A_1269 = arith.cmpi ne, %rem3A_1267, %ne3A_1268 : i32
      %and3A_1270 = arith.andi %ne3A_1266, %ne3A_1269 : i1
      %sub3A_1271 = arith.constant 1 : i32
      %sub3A_1272 = arith.subi %div3A_1251, %sub3A_1271 : i32
      %select_n3A_1273 = arith.select %and3A_1270, %sub3A_1272, %div3A_1251 : i32
      %jit3A_1274 = arith.constant 5 : i32
      %eq3A_1275 = arith.constant 0 : i32
      %eq3A_1276 = arith.cmpi eq, %jit3A_1274, %eq3A_1275 : i32
      %jit3A_1277 = arith.constant 1 : i32
      %select_n3A_1278 = arith.select %eq3A_1276, %jit3A_1277, %jit3A_1274 : i32
      %rem3A_1279 = arith.remsi %add3A_834, %select_n3A_1278 : i32
      %ne3A_1280 = arith.constant 0 : i32
      %ne3A_1281 = arith.cmpi ne, %rem3A_1279, %ne3A_1280 : i32
      %lt3A_1282 = arith.constant 0 : i32
      %lt3A_1283 = arith.cmpi slt, %rem3A_1279, %lt3A_1282 : i32
      %lt3A_1284 = arith.constant 0 : i32
      %lt3A_1285 = arith.cmpi slt, %select_n3A_1278, %lt3A_1284 : i32
      %ne3A_1286 = arith.xori %lt3A_1283, %lt3A_1285 : i1
      %and3A_1287 = arith.andi %ne3A_1286, %ne3A_1281 : i1
      %add3A_1288 = arith.addi %rem3A_1279, %select_n3A_1278 : i32
      %select_n3A_1289 = arith.select %and3A_1287, %add3A_1288, %rem3A_1279 : i32
      %mul3A_1290 = arith.constant 200 : i32
      %mul3A_1291 = arith.muli %select_n3A_1289, %mul3A_1290 : i32
      %dma_start3A_1292 = tpu.memref_slice %arg3[%select_n3A_1273, %mul3A_1291, %mul3A_2] : memref<26x1000x4096xf32, #tpu.memory_space<hbm>> -> memref<1x200x128xf32, #tpu.memory_space<hbm>>
      %dma_start3A_1293 = tpu.memref_squeeze %dma_start3A_1292 : memref<1x200x128xf32, #tpu.memory_space<hbm>> -> memref<200x128xf32, #tpu.memory_space<hbm>>
      %dma_start3A_1294 = tpu.memref_slice %arg3[%select_n3A_1273, %mul3A_1291, %mul3A_2] : memref<26x1000x4096xf32, #tpu.memory_space<hbm>> -> memref<1x200x128xf32, #tpu.memory_space<hbm>>
      %dma_start3A_1295 = tpu.memref_squeeze %dma_start3A_1294 : memref<1x200x128xf32, #tpu.memory_space<hbm>> -> memref<200x128xf32, #tpu.memory_space<hbm>>
      tpu.enqueue_dma source(%arg6 : memref<200x128xf32, #tpu.memory_space<vmem>>) target(%dma_start3A_1295 : memref<200x128xf32, #tpu.memory_space<hbm>>) target_semaphore(%arg8 : memref<!tpu.dma_semaphore, #tpu.memory_space<semaphore_mem>>)
    }
    %scan3A_354 = arith.constant 64 : i32
    %dma_wait3A = arith.constant 0 : i32
    %dma_wait3A_355 = arith.constant 0 : i32
    %dma_wait3A_356 = arith.constant 0 : i32
    %dma_wait3A_357 = tpu.memref_slice %arg3[%dma_wait3A, %dma_wait3A_355, %dma_wait3A_356] : memref<26x1000x4096xf32, #tpu.memory_space<hbm>> -> memref<1x200x128xf32, #tpu.memory_space<hbm>>
    %dma_wait3A_358 = tpu.memref_squeeze %dma_wait3A_357 : memref<1x200x128xf32, #tpu.memory_space<hbm>> -> memref<200x128xf32, #tpu.memory_space<hbm>>
    %dma_wait3A_359 = arith.constant 0 : i32
    %dma_wait3A_360 = arith.constant 0 : i32
    %dma_wait3A_361 = tpu.memref_slice %arg3[%dma_wait3A, %dma_wait3A_359, %dma_wait3A_360] : memref<26x1000x4096xf32, #tpu.memory_space<hbm>> -> memref<1x200x128xf32, #tpu.memory_space<hbm>>
    %dma_wait3A_362 = tpu.memref_squeeze %dma_wait3A_361 : memref<1x200x128xf32, #tpu.memory_space<hbm>> -> memref<200x128xf32, #tpu.memory_space<hbm>>
    tpu.wait_dma2 semaphore(%arg7 : memref<!tpu.dma_semaphore, #tpu.memory_space<semaphore_mem>>) src(%arg5 : memref<200x128xf32, #tpu.memory_space<vmem>>) dst(%dma_wait3A_362 : memref<200x128xf32, #tpu.memory_space<hbm>>)
    %dma_wait3A_363 = arith.constant 0 : i32
    %dma_wait3A_364 = arith.constant 0 : i32
    %dma_wait3A_365 = arith.constant 0 : i32
    %dma_wait3A_366 = tpu.memref_slice %arg3[%dma_wait3A_363, %dma_wait3A_364, %dma_wait3A_365] : memref<26x1000x4096xf32, #tpu.memory_space<hbm>> -> memref<1x200x128xf32, #tpu.memory_space<hbm>>
    %dma_wait3A_367 = tpu.memref_squeeze %dma_wait3A_366 : memref<1x200x128xf32, #tpu.memory_space<hbm>> -> memref<200x128xf32, #tpu.memory_space<hbm>>
    %dma_wait3A_368 = arith.constant 0 : i32
    %dma_wait3A_369 = arith.constant 0 : i32
    %dma_wait3A_370 = tpu.memref_slice %arg3[%dma_wait3A_363, %dma_wait3A_368, %dma_wait3A_369] : memref<26x1000x4096xf32, #tpu.memory_space<hbm>> -> memref<1x200x128xf32, #tpu.memory_space<hbm>>
    %dma_wait3A_371 = tpu.memref_squeeze %dma_wait3A_370 : memref<1x200x128xf32, #tpu.memory_space<hbm>> -> memref<200x128xf32, #tpu.memory_space<hbm>>
    tpu.wait_dma2 semaphore(%arg8 : memref<!tpu.dma_semaphore, #tpu.memory_space<semaphore_mem>>) src(%arg6 : memref<200x128xf32, #tpu.memory_space<vmem>>) dst(%dma_wait3A_371 : memref<200x128xf32, #tpu.memory_space<hbm>>)
    return
  }
}

</mosaic_0001>

<sc_bundles>
// kernel: kernel.3.cloned.1.call-start
scs
__scs_entry_jumppad:
0x0: {  	(pc) =	sbr.rel $0x88, $3  }
0x1: {  	(tag) =	ssettag $0x0;
	lr =	simm.s32 $0x1  }
0x2: {  	[smem:$0x3FA0] =	sst lr;
	_ =	strace $0xD0000000  }
0x3: {  	_ = 	snop  }
0x4: {  	_ = 	snop  }
0x5: {  	_ = 	snop  }
0x6: {  	_ = 	snop  }
0x7: {  	_ = 	snop  }
__scs_overlays_trampoline_lowered:
0x8: {  	[smem:$0x3FAF] =	sst s0  }
0x9: {  	[smem:$0x3FB0] =	sst s1  }
0xa: {  	[smem:$0x3FB1] =	sst s2  }
0xb: {  	[smem:$0x3FB2] =	sst s3  }
0xc: {  	[smem:$0x3FB3] =	sst s4  }
0xd: {  	[smem:$0x3FB4] =	sst s5  }
0xe: {  	[smem:$0x3FB5] =	sst s6  }
0xf: {  	[smem:$0x3FB6] =	sst s7  }
0x10: {  	[smem:$0x3FB7] =	sst s8  }
0x11: {  	[smem:$0x3FB8] =	sst s9;
	s0 =	simm.s32 @!p0 $0x0  }
0x12: {  	s1 =	sld [smem:$0x3F9E];
	s0 =	simm.s32 @p0 $0x1  }
0x13: {  	[smem:$0x3FB9] =	sst s0;
	s0 =	simm.s32 @!p1 $0x0  }
0x14: {  	s2 =	sld [smem:$0x3F9D];
	s0 =	simm.s32 @p1 $0x1  }
0x15: {  	[smem:$0x3FBA] =	sst s0;
	s0 =	simm.s32 @!p2 $0x0  }
0x16: {  	s3 =	sld [smem:$0x3FDB];
	s0 =	simm.s32 @p2 $0x1  }
0x17: {  	s4 =	simm.s32 $0x1BF5;
	[smem:$0x3FBC] =	sst s0  }
0x18: {  	s0 =	sld [smem:$0x3F9F];
	_ =	swait.ge [sflag:s4], $0x0  }
0x19: {  	s7 =	sld [smem:$0x3FA0]  }
0x1a: {  	s8 =	sadd.s32 $0xFFFFE003, lr  }
0x1b: {  	s9 =	sadd.s32 $0xFFFFFEF7, lr;
	s5 =	simm.s32 $0xFFFFFFFF;
	p2 =	slt.u32 s8, $0xFFFFF086  }
0x1c: {  	p1 =	slt.u32 s9, $0xF7A;
	s5 =	simm.s32 @!p2 $0x0  }
0x1d: {  	s5 =	simm.s32 @p1 $0x1;
	p0 =	seq.s32 s7, s2  }
0x1e: {  	s7 =	smul.u32 @!p0 $0xF7A, s2;
	p2 =	seq.s32 @!p0 s5, $0x0  }
0x1f: {  	s9 =	smul.u32 $0xF7A, s1;
	s8 =	simm.s32 @!p0 $0x1BF5;
	p2 =	por !p2, p0  }
0x20: {  	[sflag:s8] =	ssyncset.s32 @!p0 $0xFFFFF086;
	s6 =	sadd.s32 @!p0 s3, s7;
	s7 =	simm.s32 @!p0 $0x108  }
0x21: {  	s3 =	sadd.s32 s3, s9;
	s6 =	sadd.s32 @!p0 $0x88, s6;
	s7 =	simm.s32 @p2 $0x1082  }
0x22: {  	[simem:s7], [sflag:s8] =	dma.local @!p0 [hbm:s6], $0xF7A  }
0x23: {  	s9 =	sor.u32 $0xD0000000, s2;
	s6 =	simm.s32 $0x108;
	_ =	swait.ge @!p0 [sflag:s8], $0x0  }
0x24: {  	s3 =	sadd.s32 $0x88, s3;
	s6 =	simm.s32 @!p1 $0x1082;
	[sflag:s4] =	ssyncset.s32 $0xFFFFF086  }
0x25: {  	[simem:s6], [sflag:s4] =	dma.local [hbm:s3], $0xF7A  }
0x26: {  	[smem:$0x3FA0] =	sst s1;
	(tag) =	ssettag s2;
	_ =	strace s9  }
0x27: {  	s1 =	sld [smem:$0x3FB0]  }
0x28: {  	s2 =	sld [smem:$0x3FB1]  }
0x29: {  	s4 =	sld [smem:$0x3FB3]  }
0x2a: {  	p0 =	seq.s32 s5, $0x0;
	s5 =	sld [smem:$0x3FB4]  }
0x2b: {  	s6 =	sld [smem:$0x3FB5]  }
0x2c: {  	s7 =	sld [smem:$0x3FB6]  }
0x2d: {  	s3 =	simm.s32 $0x108;
	s8 =	sld [smem:$0x3FB7]  }
0x2e: {  	s3 =	simm.s32 @!p0 $0x1082;
	s9 =	sld [smem:$0x3FB8]  }
0x2f: {  	lr =	sadd.s32 s0, s3;
	s0 =	sld [smem:$0x3FAF]  }
0x30: {  	s3 =	sld [smem:$0x3FB2]  }
0x31: {  	[smem:$0x3FBB] =	sst s10  }
0x32: {  	s10 =	sld [smem:$0x3FB9];
	_ =	sdelay $0x3  }
0x33: {  	p0 =	seq.s32 s10, $0x1;
	s10 =	sld [smem:$0x3FBB];
	_ =	sdelay $0x3  }
0x34: {  	[smem:$0x3FBB] =	sst s10  }
0x35: {  	s10 =	sld [smem:$0x3FBA];
	_ =	sdelay $0x3  }
0x36: {  	p1 =	seq.s32 s10, $0x1;
	s10 =	sld [smem:$0x3FBB];
	_ =	sdelay $0x3  }
0x37: {  	[smem:$0x3FBB] =	sst s10  }
0x38: {  	s10 =	sld [smem:$0x3FBC]  }
0x39: {  	_ = 	snop;
	(pc) =	sbr.ind lr, $3  }
0x3a: {  	_ = 	snop  }
0x3b: {  	_ = 	snop  }
0x3c: {  	p2 =	seq.s32 s10, $0x1;
	s10 =	sld [smem:$0x3FBB]  }
0x3d: {  	_ =	shalt  }
0x3e: {  	_ =	shalt  }
0x3f: {  	_ =	shalt  }
0x40: {  	_ =	shalt  }
0x41: {  	_ =	shalt  }
0x42: {  	_ =	shalt  }
0x43: {  	_ =	shalt  }
0x44: {  	_ =	shalt  }
0x45: {  	_ =	shalt  }
0x46: {  	_ =	shalt  }
0x47: {  	_ =	shalt  }
0x48: {  	_ =	shalt  }
0x49: {  	_ =	shalt  }
0x4a: {  	_ =	shalt  }
0x4b: {  	_ =	shalt  }
0x4c: {  	_ =	shalt  }
0x4d: {  	_ =	shalt  }
0x4e: {  	_ =	shalt  }
0x4f: {  	_ =	shalt  }
0x50: {  	_ =	shalt  }
0x51: {  	_ =	shalt  }
0x52: {  	_ =	shalt  }
0x53: {  	_ =	shalt  }
0x54: {  	_ =	shalt  }
0x55: {  	_ =	shalt  }
0x56: {  	_ =	shalt  }
0x57: {  	_ =	shalt  }
0x58: {  	_ =	shalt  }
0x59: {  	_ =	shalt  }
0x5a: {  	_ =	shalt  }
0x5b: {  	_ =	shalt  }
0x5c: {  	_ =	shalt  }
0x5d: {  	_ =	shalt  }
0x5e: {  	_ =	shalt  }
0x5f: {  	_ =	shalt  }
0x60: {  	_ =	shalt  }
0x61: {  	_ =	shalt  }
0x62: {  	_ =	shalt  }
0x63: {  	_ =	shalt  }
0x64: {  	_ =	shalt  }
0x65: {  	_ =	shalt  }
0x66: {  	_ =	shalt  }
0x67: {  	_ =	shalt  }
0x68: {  	_ =	shalt  }
0x69: {  	_ =	shalt  }
0x6a: {  	_ =	shalt  }
0x6b: {  	_ =	shalt  }
0x6c: {  	_ =	shalt  }
0x6d: {  	_ =	shalt  }
0x6e: {  	_ =	shalt  }
0x6f: {  	_ =	shalt  }
0x70: {  	_ =	shalt  }
0x71: {  	_ =	shalt  }
0x72: {  	_ =	shalt  }
0x73: {  	_ =	shalt  }
0x74: {  	_ =	shalt  }
0x75: {  	_ =	shalt  }
0x76: {  	_ =	shalt  }
0x77: {  	_ =	shalt  }
0x78: {  	_ =	shalt  }
0x79: {  	_ =	shalt  }
0x7a: {  	_ =	shalt  }
0x7b: {  	_ =	shalt  }
0x7c: {  	_ =	shalt  }
0x7d: {  	_ =	shalt  }
0x7e: {  	_ =	shalt  }
0x7f: {  	_ =	shalt  }
0x80: {  	_ =	shalt  }
0x81: {  	_ =	shalt  }
0x82: {  	_ =	shalt  }
0x83: {  	_ =	shalt  }
0x84: {  	_ =	shalt  }
0x85: {  	_ =	shalt  }
0x86: {  	_ =	shalt  }
0x87: {  	_ =	shalt  }
.Lfunc_end0:
.L_simem_size_0:
called_computation_lowered:
.L_overlay_start_0:
0x88: {  	s2 =	sld [smem:$0x3FD9]  }
0x89: {  	s3 =	sld [smem:$0x3FFE];
	_ =	sdelay $0x1  }
0x8a: {  	s1 =	srdreg.scid  }
0x8b: {  	s0 =	sand.u32 $0x1, s1  }
0x8c: {  	s17 =	sshll.u32 s0, $0xA;
	s2 =	sadd.s32 s3, s2  }
0x8d: {  	s2 =	sadd.s32 s2, s17  }
0x8e: {  	[smem:$0x3FC7] =	sst s2  }
0x8f: {  	_ = 	snop  }
0x90: {  	s2 =	sld [smem:$0x3FD0];
	(tm) =	ssettm $0x1  }
0x91: {  	s18 =	sld [smem:$0x3FFB];
	_ =	sdelay $0x3  }
0x92: {  	_ =	strace s18  }
0x93: {  	s3 =	sld [smem:$0x3FFC];
	_ =	sdelay $0x3  }
0x94: {  	_ =	strace s3  }
0x95: {  	s3 =	sld [smem:$0x3FFD];
	_ =	sdelay $0x3  }
0x96: {  	_ =	strace s3  }
0x97: {  	_ =	strace $0x8FFFFFFF  }
0x98: {  	s19 =	sld [smem:$0x3FDB];
	_ =	sdelay $0x1  }
0x99: {  	s4 =	simm.s32 $_scs_section_size  }
0x9a: {  	s5 =	simm.s32 $_size__tile_overlayer_lowered;
	s6 =	simm.s32 $_tile_overlayer_lowered  }
0x9b: {  	s22 =	simm.s32 $0x1BFF;
	s21 =	sshll.u32 s6, $0x1;
	s3 =	sadd.s32 s4, s19  }
0x9c: {  	s7 =	simm.s32 $0x0;
	s20 =	sshll.u32 s5, $0x1;
	s5 =	sadd.s32 s21, s3  }
0x9d: {  	[timem:s7], [sflag:s22] =	dma.local [hbm:s5], s20  }
0x9e: {  	_ =	swait.ge [sflag:s22], s20  }
0x9f: {  	s4 =	ssub.s32 $0x0, s20;
	[sflag:s22] =	ssyncset.done $0x0  }
0xa0: {  	[sflag:s22] =	ssyncadd.s32 s4;
	_ =	sdelay $0x1  }
0xa1: {  	s23 =	simm.s32 $0x1B8B  }
0xa2: {  	_ =	swait.ge [sflag:s23], $0x1  }
0xa3: {  	[sflag:s23] =	ssyncset.done $0x0  }
0xa4: {  	s25 =	simm.s32 $0x1B8E;
	s24 =	sld [smem:$0x3FFE];
	[sflag:s23] =	ssyncadd.s32 $0xFFFFFFFF  }
0xa5: {  	s26 =	simm.s32 $execute0_lowered;
	[smem:$0x3FD2] =	sst s25  }
0xa6: {  	s5 =	sshll.u32 s26, $0x1;
	_ =	strace $0x80000046;
	[dreg:$0x1] =	wrdreg $0xFFFFFFFF  }
0xa7: {  	s28 =	simm.s32 $_size_execute0_lowered;
	s3 =	sadd.s32 s3, s5;
	[dreg:$0x0] =	wrdreg $0x0  }
0xa8: {  	s5 =	sshll.u32 s28, $0x1;
	[dreg:$0x2] =	wrdreg s3  }
0xa9: {  	[dreg:$0x3] =	wrdreg s5  }
0xaa: {  	[dreg:$0x4] =	wrdreg $0xC0  }
0xab: {  	_ =	task [dreg:s7], $0x5FFFF  }
0xac: {  	[dreg:$0x1] =	wrdreg $0xFFFFFFFF  }
0xad: {  	[dreg:$0x0] =	wrdreg $0x60  }
0xae: {  	[dreg:$0x2] =	wrdreg s24  }
0xaf: {  	[dreg:$0x3] =	wrdreg s2  }
0xb0: {  	[dreg:$0x4] =	wrdreg $0x9  }
0xb1: {  	_ =	task.clear_ibuf [dreg:s7], $0x5FFFF;
	_ =	strace $0x90000046  }
0xb2: {  	s29 =	simm.s32 $0x9;
	_ =	strace $0x80000048  }
0xb3: {  	_ =	swait.ge [sflag:s29], $0x1  }
0xb4: {  	[sflag:s29] =	ssyncadd.s32 $0xFFFFFFFF  }
0xb5: {  	_ =	strace $0x90000048  }
0xb6: {  	_ =	sfence  }
0xb7: {  	s30 =	sld [smem:$0x0];
	_ =	sdelay $0x2  }
0xb8: {  	s31 =	sshll.u32 s1, $0xD;
	s1 =	sshrl.u32 s1, $0x2  }
0xb9: {  	s3 =	sand.u32 $0x4000, s31;
	s1 =	sadd.s32 s1, s30  }
0xba: {  	s0 =	sor.u32 s3, s0;
	s1 =	sshll.u32 s1, $0x11  }
0xbb: {  	s0 =	sor.u32 s1, s0  }
0xbc: {  	s0 =	sadd.s32 $0x8F2B, s0  }
0xbd: {  	[sflag:s0] =	ssyncadd.remote.s32 $0x1  }
0xbe: {  	_ =	sfence.sel $0xFFFF  }
0xbf: {  	[dreg:$0x0] =	wrdreg $0xFFFFFFFF;
	(pc) =	sbr.abs _section_cstart, $3  }
0xc0: {  	[dreg:$0x1] =	wrdreg $0xFFFFFFFF  }
0xc1: {  	_ =	task.clear_ibuf [dreg:s7], $0x2FFFF;
	_ =	strace $0x9FFFFFFF  }
0xc2: {  	(tm) =	ssettm $0x7FFFFFFF  }
0xc3: {  	_ =	shalt  }
tec
execute0_lowered:
.L_overlay_start_1:
0x0: {  	(tag) =	ssettag $0x1  }
0x1: {  	s4 =	rddreg [dreg:$0x0]  }
0x2: {  	s1 =	srdreg.scid;
	s0 =	stileid.u32  }
0x3: {  	v0 =	vlaneseq.u32;
	s2 =	rddreg [dreg:$0x1];
	s3 =	simm.s32 $0x0;
	v2 =	vimm.f32 $0.0e+00;
	s10 =	simm.s32 $0xD00  }
0x4: {  	v3 =	vimm.f32 $1.000000000e+00;
	s11 =	simm.s32 $0x400;
	s12 =	simm.s32 $0x8000;
	s13 =	simm.s32 $0x7100;
	v1 =	vmul.u32 $0x1A, v0;
	v5 =	vor.u32 $0x10, v0  }
0x5: {  	s14 =	simm.s32 $0x1;
	s15 =	simm.s32 $0x2;
	s16 =	simm.s32 $0x0;
	v7 =	vor.u32 $0x20, v0;
	v9 =	vor.u32 $0x30, v0;
	v11 =	vor.u32 $0x40, v0  }
0x6: {  	s5 =	sand.u32 $0x1, s1;
	s6 =	sshll.u32 s0, $0x1;
	s1 =	rddreg [dreg:$0x2];
	v13 =	vor.u32 $0x50, v0;
	v15 =	vor.u32 $0x60, v0;
	v17 =	vor.u32 $0x70, v0  }
0x7: {  	[smem:$0x7FF] =	sst s3;
	v18 =	vor.u32 $0xFFFF9C00, v0;
	v19 =	vor.u32 $0xFFFF9C10, v0;
	v20 =	vor.u32 $0xFFFF9C20, v0;
	s6 =	sor.u32 s5, s6;
	s5 =	ssub.s32 $0x2, s5  }
0x8: {  	v21 =	vor.u32 $0xFFFF9C30, v0;
	v22 =	vor.u32 $0xFFFF9C40, v0;
	v23 =	vor.u32 $0xFFFF9C50, v0;
	_ =	strace $0x80000047;
	s7 =	smul.u32 $0x1A0, s6;
	s8 =	sshrl.u32 s5, $0x1  }
0x9: {  	v24 =	vor.u32 $0xFFFF9C60, v0;
	v25 =	vor.u32 $0xFFFF9C70, v0;
	v4 =	vadd.s32 $0x1A0, v1;
	s9 =	sshll.u32 s6, $0x7;
	s6 =	sshll.u32 s6, $0xA;
	s8 =	ssub.s32 s5, s8  }
0xa: {  	v6 =	vadd.s32 $0x340, v1;
	v8 =	vadd.s32 $0x4E0, v1;
	v10 =	vadd.s32 $0x680, v1;
	s7 =	sadd.s32 s7, s4;
	s4 =	sadd.s32 s2, s9;
	s8 =	smax.u32 s8, $0x1  }
0xb: {  	v12 =	vadd.s32 $0x820, v1;
	v14 =	vadd.s32 $0x9C0, v1;
	v16 =	vadd.s32 $0xB60, v1;
	s9 =	simm.s32 $0x3;
	s5 =	sadd.s32 $0x400, s7;
	s7 =	sadd.s32 $0x19000, s4  }
.LBB2_1:
0xc: {  	[tilespmem:s3], [sflag:$0x3] =	stream.linear.gather [hbm4b:s5+s3], $0xD00, $0x38;
	[tilespmem:$0xD500] =	vst v63  }
0xd: {  	_ =	swait.ge [sflag:s9], $0xD00  }
0xe: {  	[sflag:s9] =	ssyncset.done $0x0  }
0xf: {  	s17 =	simm.s32 $0x0;
	s18 =	simm.s32 $0x200;
	[sflag:s9] =	ssyncadd.s32 $0xFFFFF300  }
.LBB2_2:
0x10: {  	p0 =	sne.s32 s18, $0x18E00;
	[tilespmem:s17+$0xD70] =	vst v2  }
0x11: {  	[tilespmem:s17+$0xD00] =	vst v2  }
0x12: {  	[tilespmem:s17+$0xD10] =	vst v2  }
.Ltmp0:
0x13: {  	[tilespmem:s17+$0xD20] =	vst v2;
	(pc) =	sbr.rel @p0 .LBB2_2-.Ltmp0, $4  }
0x14: {  	[tilespmem:s17+$0xD30] =	vst v2  }
0x15: {  	[tilespmem:s17+$0xD40] =	vst v2  }
0x16: {  	[tilespmem:s17+$0xD50] =	vst v2  }
0x17: {  	[tilespmem:s17+$0xD60] =	vst v2;
	s17 =	sshra.s32 s18, $0x2;
	s18 =	sadd.s32 $0x200, s18  }
0x18: {  	[tilespmem:s17+$0xD70] =	vst v2  }
0x19: {  	[tilespmem:s17+$0xD00] =	vst v2  }
0x1a: {  	[tilespmem:s17+$0xD10] =	vst v2  }
0x1b: {  	[tilespmem:s17+$0xD20] =	vst v2  }
0x1c: {  	[tilespmem:s17+$0xD30] =	vst v2  }
0x1d: {  	[tilespmem:s17+$0xD40] =	vst v2  }
0x1e: {  	[tilespmem:s17+$0xD50] =	vst v2  }
0x1f: {  	[tilespmem:s17+$0xD60] =	vst v2;
	s17 =	simm.s32 $0x0;
	s18 =	simm.s32 $0x200  }
.LBB2_4:
0x20: {  	p0 =	sne.s32 s18, $0x18E00;
	[tilespmem:s17+$0x7170] =	vst v2  }
0x21: {  	[tilespmem:s17+$0x7100] =	vst v2  }
0x22: {  	[tilespmem:s17+$0x7110] =	vst v2  }
.Ltmp1:
0x23: {  	[tilespmem:s17+$0x7120] =	vst v2;
	(pc) =	sbr.rel @p0 .LBB2_4-.Ltmp1, $4  }
0x24: {  	[tilespmem:s17+$0x7130] =	vst v2  }
0x25: {  	[tilespmem:s17+$0x7140] =	vst v2  }
0x26: {  	[tilespmem:s17+$0x7150] =	vst v2  }
0x27: {  	[tilespmem:s17+$0x7160] =	vst v2;
	s17 =	sshra.s32 s18, $0x2;
	s18 =	sadd.s32 $0x200, s18  }
0x28: {  	[tilespmem:s17+$0x7170] =	vst v2  }
0x29: {  	[tilespmem:s17+$0x7100] =	vst v2  }
0x2a: {  	[tilespmem:s17+$0x7110] =	vst v2  }
0x2b: {  	[tilespmem:s17+$0x7120] =	vst v2  }
0x2c: {  	[tilespmem:s17+$0x7130] =	vst v2  }
0x2d: {  	[tilespmem:s17+$0x7140] =	vst v2  }
0x2e: {  	[tilespmem:s17+$0x7150] =	vst v2  }
0x2f: {  	[tilespmem:s17+$0x7160] =	vst v2  }
0x30: {  	v26 =	vld.idx.msk [tilespmem:v1+s3+$0x0], $0xffff;
	_ =	sdelay $0x4  }
0x31: {  	vm0 =	vlt.u32 v26, $0xC8;
	v26 =	vshll.u32 v26, $0x7  }
0x32: {  	v26 =	vor.u32 v0, v26;
	_ =	sdelay $0x4  }
0x33: {  	[tilespmem:v26+s10+$0x0] =	vst.idx.msk vm0, v3  }
0x34: {  	v26 =	vld.idx.msk [tilespmem:v4+s3+$0x0], $0xffff;
	_ =	sdelay $0x4  }
0x35: {  	vm13 =	vlt.u32 v26, $0xC8;
	v26 =	vshll.u32 v26, $0x7  }
0x36: {  	v26 =	vor.u32 v5, v26;
	_ =	sdelay $0x4  }
0x37: {  	[tilespmem:v26+s10+$0x0] =	vst.idx.msk vm13, v3  }
0x38: {  	v26 =	vld.idx.msk [tilespmem:v6+s3+$0x0], $0xffff;
	_ =	sdelay $0x4  }
0x39: {  	vm14 =	vlt.u32 v26, $0xC8;
	v26 =	vshll.u32 v26, $0x7  }
0x3a: {  	v26 =	vor.u32 v7, v26;
	_ =	sdelay $0x4  }
0x3b: {  	[tilespmem:v26+s10+$0x0] =	vst.idx.msk vm14, v3  }
0x3c: {  	v26 =	vld.idx.msk [tilespmem:v8+s3+$0x0], $0xffff;
	_ =	sdelay $0x4  }
0x3d: {  	vm15 =	vlt.u32 v26, $0xC8;
	v26 =	vshll.u32 v26, $0x7  }
0x3e: {  	v26 =	vor.u32 v9, v26;
	_ =	sdelay $0x4  }
0x3f: {  	[tilespmem:v26+s10+$0x0] =	vst.idx.msk vm15, v3  }
0x40: {  	v26 =	vld.idx.msk [tilespmem:v10+s3+$0x0], $0xffff;
	_ =	sdelay $0x4  }
0x41: {  	vm4 =	vlt.u32 v26, $0xC8;
	v26 =	vshll.u32 v26, $0x7  }
0x42: {  	v26 =	vor.u32 v11, v26;
	_ =	sdelay $0x4  }
0x43: {  	[tilespmem:v26+s10+$0x0] =	vst.idx.msk vm4, v3  }
0x44: {  	v26 =	vld.idx.msk [tilespmem:v12+s3+$0x0], $0xffff;
	_ =	sdelay $0x4  }
0x45: {  	vm5 =	vlt.u32 v26, $0xC8;
	v26 =	vshll.u32 v26, $0x7  }
0x46: {  	v26 =	vor.u32 v13, v26;
	_ =	sdelay $0x4  }
0x47: {  	[tilespmem:v26+s10+$0x0] =	vst.idx.msk vm5, v3  }
0x48: {  	v26 =	vld.idx.msk [tilespmem:v14+s3+$0x0], $0xffff;
	_ =	sdelay $0x4  }
0x49: {  	vm6 =	vlt.u32 v26, $0xC8;
	v26 =	vshll.u32 v26, $0x7  }
0x4a: {  	v26 =	vor.u32 v15, v26;
	_ =	sdelay $0x4  }
0x4b: {  	[tilespmem:v26+s10+$0x0] =	vst.idx.msk vm6, v3  }
0x4c: {  	v26 =	vld.idx.msk [tilespmem:v16+s3+$0x0], $0xffff;
	_ =	sdelay $0x4  }
0x4d: {  	vm7 =	vlt.u32 v26, $0xC8;
	v26 =	vshll.u32 v26, $0x7  }
0x4e: {  	v26 =	vor.u32 v17, v26;
	_ =	sdelay $0x4  }
0x4f: {  	[tilespmem:v26+s10+$0x0] =	vst.idx.msk vm7, v3  }
0x50: {  	[hbm4b:s4+s11] =	stream.strided.scatter [tilespmem:s10], [sflag:$0x1], $0x6400, s12, s11, $0x38;
	[tilespmem:$0xD500] =	vst v63  }
0x51: {  	v26 =	vld.idx.msk [tilespmem:v1+s3+$0x0], $0xffff;
	_ =	sdelay $0x4  }
0x52: {  	v27 =	vadd.s32 $0xFFFFFF38, v26  }
0x53: {  	v26 =	vshll.u32 v26, $0x7;
	vm8 =	vlt.u32 v27, $0xC8  }
0x54: {  	v26 =	vadd.s32 v18, v26;
	_ =	sdelay $0x4  }
0x55: {  	[tilespmem:v26+s13+$0x0] =	vst.idx.msk vm8, v3  }
0x56: {  	v26 =	vld.idx.msk [tilespmem:v4+s3+$0x0], $0xffff;
	_ =	sdelay $0x4  }
0x57: {  	v27 =	vadd.s32 $0xFFFFFF38, v26  }
0x58: {  	v26 =	vshll.u32 v26, $0x7;
	vm9 =	vlt.u32 v27, $0xC8  }
0x59: {  	v26 =	vadd.s32 v19, v26;
	_ =	sdelay $0x4  }
0x5a: {  	[tilespmem:v26+s13+$0x0] =	vst.idx.msk vm9, v3  }
0x5b: {  	v26 =	vld.idx.msk [tilespmem:v6+s3+$0x0], $0xffff;
	_ =	sdelay $0x4  }
0x5c: {  	v27 =	vadd.s32 $0xFFFFFF38, v26  }
0x5d: {  	v26 =	vshll.u32 v26, $0x7;
	vm10 =	vlt.u32 v27, $0xC8  }
0x5e: {  	v26 =	vadd.s32 v20, v26;
	_ =	sdelay $0x4  }
0x5f: {  	[tilespmem:v26+s13+$0x0] =	vst.idx.msk vm10, v3  }
0x60: {  	v26 =	vld.idx.msk [tilespmem:v8+s3+$0x0], $0xffff;
	_ =	sdelay $0x4  }
0x61: {  	v27 =	vadd.s32 $0xFFFFFF38, v26  }
0x62: {  	v26 =	vshll.u32 v26, $0x7;
	vm11 =	vlt.u32 v27, $0xC8  }
0x63: {  	v26 =	vadd.s32 v21, v26;
	_ =	sdelay $0x4  }
0x64: {  	[tilespmem:v26+s13+$0x0] =	vst.idx.msk vm11, v3  }
0x65: {  	v26 =	vld.idx.msk [tilespmem:v10+s3+$0x0], $0xffff;
	_ =	sdelay $0x4  }
0x66: {  	v27 =	vadd.s32 $0xFFFFFF38, v26  }
0x67: {  	v26 =	vshll.u32 v26, $0x7;
	vm12 =	vlt.u32 v27, $0xC8  }
0x68: {  	v26 =	vadd.s32 v22, v26;
	_ =	sdelay $0x4  }
0x69: {  	[tilespmem:v26+s13+$0x0] =	vst.idx.msk vm12, v3  }
0x6a: {  	v26 =	vld.idx.msk [tilespmem:v12+s3+$0x0], $0xffff;
	_ =	sdelay $0x4  }
0x6b: {  	v27 =	vadd.s32 $0xFFFFFF38, v26  }
0x6c: {  	v26 =	vshll.u32 v26, $0x7;
	vm13 =	vlt.u32 v27, $0xC8  }
0x6d: {  	v26 =	vadd.s32 v23, v26;
	_ =	sdelay $0x4  }
0x6e: {  	[tilespmem:v26+s13+$0x0] =	vst.idx.msk vm13, v3  }
0x6f: {  	v26 =	vld.idx.msk [tilespmem:v14+s3+$0x0], $0xffff;
	_ =	sdelay $0x4  }
0x70: {  	v27 =	vadd.s32 $0xFFFFFF38, v26  }
0x71: {  	v26 =	vshll.u32 v26, $0x7;
	vm14 =	vlt.u32 v27, $0xC8  }
0x72: {  	v26 =	vadd.s32 v24, v26;
	_ =	sdelay $0x4  }
0x73: {  	[tilespmem:v26+s13+$0x0] =	vst.idx.msk vm14, v3  }
0x74: {  	v26 =	vld.idx.msk [tilespmem:v16+s3+$0x0], $0xffff;
	_ =	sdelay $0x4  }
0x75: {  	v27 =	vadd.s32 $0xFFFFFF38, v26  }
0x76: {  	v26 =	vshll.u32 v26, $0x7;
	vm15 =	vlt.u32 v27, $0xC8  }
0x77: {  	v26 =	vadd.s32 v25, v26;
	_ =	sdelay $0x4  }
0x78: {  	s17 =	simm.s32 $0x1;
	[tilespmem:v26+s13+$0x0] =	vst.idx.msk vm15, v3  }
0x79: {  	[hbm4b:s7+s11] =	stream.strided.scatter [tilespmem:s13], [sflag:$0x2], $0x6400, s12, s11, $0x38;
	[tilespmem:$0xD500] =	vst v63  }
.LBB2_6:
0x7a: {  	s18 =	sshll.u32 s17, $0x1  }
0x7b: {  	s19 =	sadd.s32 $0xFFFFFFFE, s18  }
0x7c: {  	s20 =	sshll.u32 s19, $0x18  }
0x7d: {  	s20 =	sshra.s32 s20, $0x18  }
0x7e: {  	s20 =	smul.u32 $0x67, s20;
	_ =	sdelay $0x1  }
0x7f: {  	s21 =	sshrl.u32 s20, $0x1F;
	s20 =	sshra.s32 s20, $0x9  }
0x80: {  	s20 =	sadd.s32 s21, s20  }
0x81: {  	s21 =	smul.u32 $0xFFFFFFFB, s20;
	_ =	sdelay $0x1  }
0x82: {  	s21 =	sadd.s32 s19, s21  }
0x83: {  	s19 =	sand.u32 $0xFF, s21  }
0x84: {  	p0 =	slt.u32 s17, $0x2;
	p1 =	sne.s32 s19, $0x0  }
0x85: {  	p0 =	por !p0, !p1  }
0x86: {  	s19 =	simm.s32 $0x1;
	p0 =	por !p0, !p0  }
0x87: {  	s19 =	simm.s32 @!p0 $0x0  }
0x88: {  	s19 =	ssub.s32 s20, s19  }
0x89: {  	v26 =	vadd.s32 s19, v1;
	_ =	sdelay $0x1  }
0x8a: {  	_ =	swait.ge [sflag:s14], $0x6400  }
0x8b: {  	[sflag:s14] =	ssyncset.done $0x0;
	s23 =	sshll.u32 s21, $0x18  }
0x8c: {  	[sflag:s14] =	ssyncadd.s32 $0xFFFF9C00;
	s20 =	sshra.s32 s23, $0x18  }
0x8d: {  	p0 =	slt.s32 s20, $0x0;
	s21 =	sadd.s32 $0x5, s20;
	v26 =	vld.idx.msk [tilespmem:v26+s3+$0x0], $0xffff  }
0x8e: {  	s20 =	smov.u32 @p0 s21  }
0x8f: {  	s20 =	smul.u32 $0xC8, s20;
	_ =	sdelay $0x1  }
0x90: {  	v27 =	vmov s20;
	s24 =	sadd.s32 $0xC8, s20  }
0x91: {  	vm0 =	vge.s32 v26, s20;
	vm1 =	vlt.s32 v26, s24;
	v26 =	vsub.s32 v26, v27  }
0x92: {  	vm0 =	vmand vm0, vm1;
	v26 =	vshll.u32 v26, $0x7  }
0x93: {  	s22 =	sadd.s32 $0x1A0, s19;
	v26 =	vor.u32 v0, v26  }
0x94: {  	v28 =	vadd.s32 s22, v1;
	_ =	sdelay $0x3  }
0x95: {  	[tilespmem:v26+s10+$0x0] =	vst.idx.msk vm0, v2  }
0x96: {  	v26 =	vld.idx.msk [tilespmem:v28+s3+$0x0], $0xffff;
	_ =	sdelay $0x4  }
0x97: {  	vm14 =	vge.s32 v26, s20;
	vm15 =	vlt.s32 v26, s24;
	v26 =	vsub.s32 v26, v27  }
0x98: {  	vm0 =	vmand vm14, vm15;
	v26 =	vshll.u32 v26, $0x7  }
0x99: {  	s25 =	sadd.s32 $0x340, s19;
	v26 =	vor.u32 v5, v26  }
0x9a: {  	v37 =	vadd.s32 s25, v1;
	_ =	sdelay $0x3  }
0x9b: {  	[tilespmem:v26+s10+$0x0] =	vst.idx.msk vm0, v2  }
0x9c: {  	v26 =	vld.idx.msk [tilespmem:v37+s3+$0x0], $0xffff;
	_ =	sdelay $0x4  }
0x9d: {  	vm4 =	vge.s32 v26, s20;
	vm5 =	vlt.s32 v26, s24;
	v26 =	vsub.s32 v26, v27  }
0x9e: {  	vm0 =	vmand vm4, vm5;
	v26 =	vshll.u32 v26, $0x7  }
0x9f: {  	s26 =	sadd.s32 $0x4E0, s19;
	v26 =	vor.u32 v7, v26  }
0xa0: {  	v38 =	vadd.s32 s26, v1;
	_ =	sdelay $0x3  }
0xa1: {  	[tilespmem:v26+s10+$0x0] =	vst.idx.msk vm0, v2  }
0xa2: {  	v26 =	vld.idx.msk [tilespmem:v38+s3+$0x0], $0xffff;
	_ =	sdelay $0x4  }
0xa3: {  	vm6 =	vge.s32 v26, s20;
	vm7 =	vlt.s32 v26, s24;
	v26 =	vsub.s32 v26, v27  }
0xa4: {  	vm0 =	vmand vm6, vm7;
	v26 =	vshll.u32 v26, $0x7  }
0xa5: {  	s28 =	sadd.s32 $0x680, s19;
	v26 =	vor.u32 v9, v26  }
0xa6: {  	v39 =	vadd.s32 s28, v1;
	_ =	sdelay $0x3  }
0xa7: {  	[tilespmem:v26+s10+$0x0] =	vst.idx.msk vm0, v2  }
0xa8: {  	v26 =	vld.idx.msk [tilespmem:v39+s3+$0x0], $0xffff;
	_ =	sdelay $0x4  }
0xa9: {  	vm8 =	vge.s32 v26, s20;
	vm9 =	vlt.s32 v26, s24;
	v26 =	vsub.s32 v26, v27  }
0xaa: {  	vm0 =	vmand vm8, vm9;
	v26 =	vshll.u32 v26, $0x7  }
0xab: {  	s29 =	sadd.s32 $0x820, s19;
	v26 =	vor.u32 v11, v26  }
0xac: {  	v40 =	vadd.s32 s29, v1;
	_ =	sdelay $0x3  }
0xad: {  	[tilespmem:v26+s10+$0x0] =	vst.idx.msk vm0, v2  }
0xae: {  	v26 =	vld.idx.msk [tilespmem:v40+s3+$0x0], $0xffff;
	_ =	sdelay $0x4  }
0xaf: {  	vm10 =	vge.s32 v26, s20;
	vm11 =	vlt.s32 v26, s24;
	v26 =	vsub.s32 v26, v27  }
0xb0: {  	vm0 =	vmand vm10, vm11;
	v26 =	vshll.u32 v26, $0x7  }
0xb1: {  	s30 =	sadd.s32 $0x9C0, s19;
	v26 =	vor.u32 v13, v26  }
0xb2: {  	v41 =	vadd.s32 s30, v1;
	_ =	sdelay $0x3  }
0xb3: {  	[tilespmem:v26+s10+$0x0] =	vst.idx.msk vm0, v2  }
0xb4: {  	v26 =	vld.idx.msk [tilespmem:v41+s3+$0x0], $0xffff;
	_ =	sdelay $0x4  }
0xb5: {  	vm12 =	vge.s32 v26, s20;
	vm13 =	vlt.s32 v26, s24;
	v26 =	vsub.s32 v26, v27  }
0xb6: {  	vm0 =	vmand vm12, vm13;
	v26 =	vshll.u32 v26, $0x7  }
0xb7: {  	s19 =	sadd.s32 $0xB60, s19;
	v26 =	vor.u32 v15, v26  }
0xb8: {  	v42 =	vadd.s32 s19, v1;
	_ =	sdelay $0x3  }
0xb9: {  	[tilespmem:v26+s10+$0x0] =	vst.idx.msk vm0, v2  }
0xba: {  	v26 =	vld.idx.msk [tilespmem:v42+s3+$0x0], $0xffff;
	_ =	sdelay $0x3  }
0xbb: {  	s31 =	sand.u32 $0xFE, s18  }
0xbc: {  	s19 =	smul.u32 $0xCD, s31;
	vm14 =	vge.s32 v26, s20;
	vm15 =	vlt.s32 v26, s24;
	v26 =	vsub.s32 v26, v27  }
0xbd: {  	vm0 =	vmand vm14, vm15;
	v26 =	vshll.u32 v26, $0x7  }
0xbe: {  	s19 =	sshrl.u32 s19, $0xA;
	v26 =	vor.u32 v17, v26  }
0xbf: {  	v27 =	vadd.s32 s19, v1;
	_ =	sdelay $0x2  }
0xc0: {  	s21 =	smul.u32 $0x5, s19  }
0xc1: {  	[tilespmem:v26+s10+$0x0] =	vst.idx.msk vm0, v2  }
0xc2: {  	s20 =	ssub.s32 s18, s21;
	v26 =	vld.idx.msk [tilespmem:v27+s3+$0x0], $0xffff  }
0xc3: {  	s20 =	sand.u32 $0xFF, s20  }
0xc4: {  	s22 =	smul.u32 $0xC8, s20;
	_ =	sdelay $0x1  }
0xc5: {  	s24 =	sadd.s32 $0xC8, s22;
	v27 =	vmov s22  }
0xc6: {  	vm4 =	vge.s32 v26, s22;
	vm5 =	vlt.s32 v26, s24;
	v26 =	vsub.s32 v26, v27  }
0xc7: {  	vm0 =	vmand vm4, vm5;
	v26 =	vshll.u32 v26, $0x7  }
0xc8: {  	s23 =	sadd.s32 $0x1A0, s19;
	v26 =	vor.u32 v0, v26  }
0xc9: {  	v43 =	vadd.s32 s23, v1;
	_ =	sdelay $0x3  }
0xca: {  	[tilespmem:v26+s10+$0x0] =	vst.idx.msk vm0, v3  }
0xcb: {  	v26 =	vld.idx.msk [tilespmem:v43+s3+$0x0], $0xffff;
	_ =	sdelay $0x4  }
0xcc: {  	vm6 =	vge.s32 v26, s22;
	vm7 =	vlt.s32 v26, s24;
	v26 =	vsub.s32 v26, v27  }
0xcd: {  	vm0 =	vmand vm6, vm7;
	v26 =	vshll.u32 v26, $0x7  }
0xce: {  	s25 =	sor.u32 $0x340, s19;
	v26 =	vor.u32 v5, v26  }
0xcf: {  	v44 =	vadd.s32 s25, v1;
	_ =	sdelay $0x3  }
0xd0: {  	[tilespmem:v26+s10+$0x0] =	vst.idx.msk vm0, v3  }
0xd1: {  	v26 =	vld.idx.msk [tilespmem:v44+s3+$0x0], $0xffff;
	_ =	sdelay $0x4  }
0xd2: {  	vm8 =	vge.s32 v26, s22;
	vm9 =	vlt.s32 v26, s24;
	v26 =	vsub.s32 v26, v27  }
0xd3: {  	vm0 =	vmand vm8, vm9;
	v26 =	vshll.u32 v26, $0x7  }
0xd4: {  	s26 =	sadd.s32 $0x4E0, s19;
	v26 =	vor.u32 v7, v26  }
0xd5: {  	v45 =	vadd.s32 s26, v1;
	_ =	sdelay $0x3  }
0xd6: {  	[tilespmem:v26+s10+$0x0] =	vst.idx.msk vm0, v3  }
0xd7: {  	v26 =	vld.idx.msk [tilespmem:v45+s3+$0x0], $0xffff;
	_ =	sdelay $0x4  }
0xd8: {  	vm10 =	vge.s32 v26, s22;
	vm11 =	vlt.s32 v26, s24;
	v26 =	vsub.s32 v26, v27  }
0xd9: {  	vm0 =	vmand vm10, vm11;
	v26 =	vshll.u32 v26, $0x7  }
0xda: {  	s28 =	sor.u32 $0x680, s19;
	v26 =	vor.u32 v9, v26  }
0xdb: {  	v46 =	vadd.s32 s28, v1;
	_ =	sdelay $0x3  }
0xdc: {  	[tilespmem:v26+s10+$0x0] =	vst.idx.msk vm0, v3  }
0xdd: {  	v26 =	vld.idx.msk [tilespmem:v46+s3+$0x0], $0xffff;
	_ =	sdelay $0x4  }
0xde: {  	vm12 =	vge.s32 v26, s22;
	vm13 =	vlt.s32 v26, s24;
	v26 =	vsub.s32 v26, v27  }
0xdf: {  	vm0 =	vmand vm12, vm13;
	v26 =	vshll.u32 v26, $0x7  }
0xe0: {  	s29 =	sadd.s32 $0x820, s19;
	v26 =	vor.u32 v11, v26  }
0xe1: {  	v47 =	vadd.s32 s29, v1;
	_ =	sdelay $0x3  }
0xe2: {  	[tilespmem:v26+s10+$0x0] =	vst.idx.msk vm0, v3  }
0xe3: {  	v26 =	vld.idx.msk [tilespmem:v47+s3+$0x0], $0xffff;
	_ =	sdelay $0x4  }
0xe4: {  	vm14 =	vge.s32 v26, s22;
	vm15 =	vlt.s32 v26, s24;
	v26 =	vsub.s32 v26, v27  }
0xe5: {  	vm0 =	vmand vm14, vm15;
	v26 =	vshll.u32 v26, $0x7  }
0xe6: {  	s30 =	sor.u32 $0x9C0, s19;
	v26 =	vor.u32 v13, v26  }
0xe7: {  	v48 =	vadd.s32 s30, v1;
	_ =	sdelay $0x3  }
0xe8: {  	[tilespmem:v26+s10+$0x0] =	vst.idx.msk vm0, v3  }
0xe9: {  	v26 =	vld.idx.msk [tilespmem:v48+s3+$0x0], $0xffff;
	_ =	sdelay $0x4  }
0xea: {  	vm4 =	vge.s32 v26, s22;
	vm5 =	vlt.s32 v26, s24;
	v26 =	vsub.s32 v26, v27  }
0xeb: {  	vm0 =	vmand vm4, vm5;
	v26 =	vshll.u32 v26, $0x7  }
0xec: {  	s31 =	sadd.s32 $0xB60, s19;
	v26 =	vor.u32 v15, v26  }
0xed: {  	v49 =	vadd.s32 s31, v1;
	_ =	sdelay $0x3  }
0xee: {  	[tilespmem:v26+s10+$0x0] =	vst.idx.msk vm0, v3  }
0xef: {  	v26 =	vld.idx.msk [tilespmem:v49+s3+$0x0], $0xffff;
	_ =	sdelay $0x4  }
0xf0: {  	vm6 =	vge.s32 v26, s22;
	vm7 =	vlt.s32 v26, s24;
	v26 =	vsub.s32 v26, v27;
	s24 =	sadd.s32 $0xFFFFFFFF, s18  }
0xf1: {  	s25 =	smul.u32 $0x3E8000, s19;
	vm0 =	vmand vm6, vm7;
	v26 =	vshll.u32 v26, $0x7;
	s26 =	sshll.u32 s24, $0x18  }
0xf2: {  	s20 =	smul.u32 $0xC8000, s20;
	v26 =	vor.u32 v17, v26;
	s19 =	sshra.s32 s26, $0x18  }
0xf3: {  	s19 =	smul.u32 $0x67, s19  }
0xf4: {  	s18 =	sadd.s32 s20, s25  }
0xf5: {  	s18 =	sor.u32 s6, s18;
	s28 =	sshrl.u32 s19, $0x1F;
	s19 =	sshra.s32 s19, $0x9  }
0xf6: {  	s29 =	sshrl.u32 s18, $0x3;
	s30 =	sadd.s32 s28, s19  }
0xf7: {  	s31 =	sadd.s32 s2, s29;
	[tilespmem:v26+s10+$0x0] =	vst.idx.msk vm0, v3;
	s20 =	smul.u32 $0xFFFFFFFB, s30;
	v26 =	vadd.s32 s30, v1  }
0xf8: {  	[hbm4b:s31+s11] =	stream.strided.scatter [tilespmem:s10], [sflag:$0x1], $0x6400, s12, s11, $0x38;
	[tilespmem:$0xD500] =	vst v63  }
0xf9: {  	_ =	swait.ge [sflag:s15], $0x6400;
	s21 =	sadd.s32 s24, s20  }
0xfa: {  	[sflag:s15] =	ssyncset.done $0x0;
	s19 =	sshll.u32 s21, $0x18  }
0xfb: {  	[sflag:s15] =	ssyncadd.s32 $0xFFFF9C00;
	s19 =	sshra.s32 s19, $0x18  }
0xfc: {  	p0 =	slt.s32 s19, $0x0;
	s20 =	sadd.s32 $0x5, s19;
	v26 =	vld.idx.msk [tilespmem:v26+s3+$0x0], $0xffff  }
0xfd: {  	s19 =	smov.u32 @p0 s20  }
0xfe: {  	s19 =	smul.u32 $0xC8, s19;
	_ =	sdelay $0x1  }
0xff: {  	v27 =	vmov s19;
	s22 =	sadd.s32 $0xC8, s19  }
0x100: {  	vm8 =	vge.s32 v26, s19;
	vm9 =	vlt.s32 v26, s22;
	v26 =	vsub.s32 v26, v27  }
0x101: {  	vm0 =	vmand vm8, vm9;
	v26 =	vshll.u32 v26, $0x7  }
0x102: {  	s23 =	sadd.s32 $0x1A0, s30;
	v26 =	vor.u32 v0, v26  }
0x103: {  	v50 =	vadd.s32 s23, v1;
	_ =	sdelay $0x3  }
0x104: {  	[tilespmem:v26+s13+$0x0] =	vst.idx.msk vm0, v2  }
0x105: {  	v26 =	vld.idx.msk [tilespmem:v50+s3+$0x0], $0xffff;
	_ =	sdelay $0x4  }
0x106: {  	vm10 =	vge.s32 v26, s19;
	vm11 =	vlt.s32 v26, s22;
	v26 =	vsub.s32 v26, v27  }
0x107: {  	vm0 =	vmand vm10, vm11;
	v26 =	vshll.u32 v26, $0x7  }
0x108: {  	s24 =	sadd.s32 $0x340, s30;
	v26 =	vor.u32 v5, v26  }
0x109: {  	v51 =	vadd.s32 s24, v1;
	_ =	sdelay $0x3  }
0x10a: {  	[tilespmem:v26+s13+$0x0] =	vst.idx.msk vm0, v2  }
0x10b: {  	v26 =	vld.idx.msk [tilespmem:v51+s3+$0x0], $0xffff;
	_ =	sdelay $0x4  }
0x10c: {  	vm12 =	vge.s32 v26, s19;
	vm13 =	vlt.s32 v26, s22;
	v26 =	vsub.s32 v26, v27  }
0x10d: {  	vm0 =	vmand vm12, vm13;
	v26 =	vshll.u32 v26, $0x7  }
0x10e: {  	s25 =	sadd.s32 $0x4E0, s30;
	v26 =	vor.u32 v7, v26  }
0x10f: {  	v52 =	vadd.s32 s25, v1;
	_ =	sdelay $0x3  }
0x110: {  	[tilespmem:v26+s13+$0x0] =	vst.idx.msk vm0, v2  }
0x111: {  	v26 =	vld.idx.msk [tilespmem:v52+s3+$0x0], $0xffff;
	_ =	sdelay $0x4  }
0x112: {  	vm14 =	vge.s32 v26, s19;
	vm15 =	vlt.s32 v26, s22;
	v26 =	vsub.s32 v26, v27  }
0x113: {  	vm0 =	vmand vm14, vm15;
	v26 =	vshll.u32 v26, $0x7  }
0x114: {  	s26 =	sadd.s32 $0x680, s30;
	v26 =	vor.u32 v9, v26  }
0x115: {  	v53 =	vadd.s32 s26, v1;
	_ =	sdelay $0x3  }
0x116: {  	[tilespmem:v26+s13+$0x0] =	vst.idx.msk vm0, v2  }
0x117: {  	v26 =	vld.idx.msk [tilespmem:v53+s3+$0x0], $0xffff;
	_ =	sdelay $0x4  }
0x118: {  	vm4 =	vge.s32 v26, s19;
	vm5 =	vlt.s32 v26, s22;
	v26 =	vsub.s32 v26, v27  }
0x119: {  	vm0 =	vmand vm4, vm5;
	v26 =	vshll.u32 v26, $0x7  }
0x11a: {  	s28 =	sadd.s32 $0x820, s30;
	v26 =	vor.u32 v11, v26  }
0x11b: {  	v54 =	vadd.s32 s28, v1;
	_ =	sdelay $0x3  }
0x11c: {  	[tilespmem:v26+s13+$0x0] =	vst.idx.msk vm0, v2  }
0x11d: {  	v26 =	vld.idx.msk [tilespmem:v54+s3+$0x0], $0xffff;
	_ =	sdelay $0x4  }
0x11e: {  	vm6 =	vge.s32 v26, s19;
	vm7 =	vlt.s32 v26, s22;
	v26 =	vsub.s32 v26, v27  }
0x11f: {  	vm0 =	vmand vm6, vm7;
	v26 =	vshll.u32 v26, $0x7  }
0x120: {  	s29 =	sadd.s32 $0x9C0, s30;
	v26 =	vor.u32 v13, v26  }
0x121: {  	v55 =	vadd.s32 s29, v1;
	_ =	sdelay $0x3  }
0x122: {  	[tilespmem:v26+s13+$0x0] =	vst.idx.msk vm0, v2  }
0x123: {  	v26 =	vld.idx.msk [tilespmem:v55+s3+$0x0], $0xffff;
	_ =	sdelay $0x4  }
0x124: {  	vm8 =	vge.s32 v26, s19;
	vm9 =	vlt.s32 v26, s22;
	v26 =	vsub.s32 v26, v27  }
0x125: {  	vm0 =	vmand vm8, vm9;
	v26 =	vshll.u32 v26, $0x7  }
0x126: {  	s18 =	sadd.s32 $0xB60, s30;
	v26 =	vor.u32 v15, v26  }
0x127: {  	v56 =	vadd.s32 s18, v1;
	_ =	sdelay $0x3  }
0x128: {  	[tilespmem:v26+s13+$0x0] =	vst.idx.msk vm0, v2  }
0x129: {  	v26 =	vld.idx.msk [tilespmem:v56+s3+$0x0], $0xffff;
	_ =	sdelay $0x2  }
0x12a: {  	s30 =	sshllo.u32 s17, $0x1  }
0x12b: {  	s31 =	sand.u32 $0xFF, s30  }
0x12c: {  	s18 =	smul.u32 $0xCD, s31;
	vm10 =	vge.s32 v26, s19;
	vm11 =	vlt.s32 v26, s22;
	v26 =	vsub.s32 v26, v27  }
0x12d: {  	vm0 =	vmand vm10, vm11;
	v26 =	vshll.u32 v26, $0x7  }
0x12e: {  	s18 =	sshrl.u32 s18, $0xA;
	v26 =	vor.u32 v17, v26  }
0x12f: {  	v27 =	vadd.s32 s18, v1;
	_ =	sdelay $0x2  }
0x130: {  	s20 =	smul.u32 $0x5, s18  }
0x131: {  	[tilespmem:v26+s13+$0x0] =	vst.idx.msk vm0, v2  }
0x132: {  	s19 =	ssub.s32 s30, s20;
	v26 =	vld.idx.msk [tilespmem:v27+s3+$0x0], $0xffff  }
0x133: {  	s19 =	sand.u32 $0xFF, s19  }
0x134: {  	s21 =	smul.u32 $0xC8, s19;
	_ =	sdelay $0x1  }
0x135: {  	s23 =	sadd.s32 $0xC8, s21;
	v27 =	vmov s21  }
0x136: {  	vm12 =	vge.s32 v26, s21;
	vm13 =	vlt.s32 v26, s23;
	v26 =	vsub.s32 v26, v27  }
0x137: {  	vm0 =	vmand vm12, vm13;
	v26 =	vshll.u32 v26, $0x7  }
0x138: {  	s24 =	sadd.s32 $0x1A0, s18;
	v26 =	vor.u32 v0, v26  }
0x139: {  	v57 =	vadd.s32 s24, v1;
	_ =	sdelay $0x3  }
0x13a: {  	[tilespmem:v26+s13+$0x0] =	vst.idx.msk vm0, v3  }
0x13b: {  	v26 =	vld.idx.msk [tilespmem:v57+s3+$0x0], $0xffff;
	_ =	sdelay $0x4  }
0x13c: {  	vm14 =	vge.s32 v26, s21;
	vm15 =	vlt.s32 v26, s23;
	v26 =	vsub.s32 v26, v27  }
0x13d: {  	vm0 =	vmand vm14, vm15;
	v26 =	vshll.u32 v26, $0x7  }
0x13e: {  	s25 =	sor.u32 $0x340, s18;
	v26 =	vor.u32 v5, v26  }
0x13f: {  	v58 =	vadd.s32 s25, v1;
	_ =	sdelay $0x3  }
0x140: {  	[tilespmem:v26+s13+$0x0] =	vst.idx.msk vm0, v3  }
0x141: {  	v26 =	vld.idx.msk [tilespmem:v58+s3+$0x0], $0xffff;
	_ =	sdelay $0x4  }
0x142: {  	vm4 =	vge.s32 v26, s21;
	vm5 =	vlt.s32 v26, s23;
	v26 =	vsub.s32 v26, v27  }
0x143: {  	vm0 =	vmand vm4, vm5;
	v26 =	vshll.u32 v26, $0x7  }
0x144: {  	s26 =	sadd.s32 $0x4E0, s18;
	v26 =	vor.u32 v7, v26  }
0x145: {  	v59 =	vadd.s32 s26, v1;
	_ =	sdelay $0x3  }
0x146: {  	[tilespmem:v26+s13+$0x0] =	vst.idx.msk vm0, v3  }
0x147: {  	v26 =	vld.idx.msk [tilespmem:v59+s3+$0x0], $0xffff;
	_ =	sdelay $0x4  }
0x148: {  	vm6 =	vge.s32 v26, s21;
	vm7 =	vlt.s32 v26, s23;
	v26 =	vsub.s32 v26, v27  }
0x149: {  	vm0 =	vmand vm6, vm7;
	v26 =	vshll.u32 v26, $0x7  }
0x14a: {  	s28 =	sor.u32 $0x680, s18;
	v26 =	vor.u32 v9, v26  }
0x14b: {  	v60 =	vadd.s32 s28, v1;
	_ =	sdelay $0x3  }
0x14c: {  	[tilespmem:v26+s13+$0x0] =	vst.idx.msk vm0, v3  }
0x14d: {  	v26 =	vld.idx.msk [tilespmem:v60+s3+$0x0], $0xffff;
	_ =	sdelay $0x4  }
0x14e: {  	vm8 =	vge.s32 v26, s21;
	vm9 =	vlt.s32 v26, s23;
	v26 =	vsub.s32 v26, v27  }
0x14f: {  	vm0 =	vmand vm8, vm9;
	v26 =	vshll.u32 v26, $0x7  }
0x150: {  	s29 =	sadd.s32 $0x820, s18;
	v26 =	vor.u32 v11, v26  }
0x151: {  	v61 =	vadd.s32 s29, v1;
	_ =	sdelay $0x3  }
0x152: {  	[tilespmem:v26+s13+$0x0] =	vst.idx.msk vm0, v3  }
0x153: {  	v26 =	vld.idx.msk [tilespmem:v61+s3+$0x0], $0xffff;
	_ =	sdelay $0x4  }
0x154: {  	vm10 =	vge.s32 v26, s21;
	vm11 =	vlt.s32 v26, s23;
	v26 =	vsub.s32 v26, v27  }
0x155: {  	vm0 =	vmand vm10, vm11;
	v26 =	vshll.u32 v26, $0x7  }
0x156: {  	s30 =	sor.u32 $0x9C0, s18;
	v26 =	vor.u32 v13, v26  }
0x157: {  	v62 =	vadd.s32 s30, v1;
	_ =	sdelay $0x3  }
0x158: {  	[tilespmem:v26+s13+$0x0] =	vst.idx.msk vm0, v3  }
0x159: {  	v26 =	vld.idx.msk [tilespmem:v62+s3+$0x0], $0xffff;
	_ =	sdelay $0x4  }
0x15a: {  	vm12 =	vge.s32 v26, s21;
	vm13 =	vlt.s32 v26, s23;
	v26 =	vsub.s32 v26, v27  }
0x15b: {  	vm0 =	vmand vm12, vm13;
	v26 =	vshll.u32 v26, $0x7  }
0x15c: {  	s31 =	sadd.s32 $0xB60, s18;
	v26 =	vor.u32 v15, v26  }
0x15d: {  	v63 =	vadd.s32 s31, v1;
	_ =	sdelay $0x3  }
0x15e: {  	[tilespmem:v26+s13+$0x0] =	vst.idx.msk vm0, v3  }
0x15f: {  	v26 =	vld.idx.msk [tilespmem:v63+s3+$0x0], $0xffff;
	_ =	sdelay $0x4  }
0x160: {  	vm14 =	vge.s32 v26, s21;
	vm15 =	vlt.s32 v26, s23;
	v26 =	vsub.s32 v26, v27  }
0x161: {  	s18 =	smul.u32 $0x3E8000, s18;
	vm0 =	vmand vm14, vm15;
	v26 =	vshll.u32 v26, $0x7  }
0x162: {  	s19 =	smul.u32 $0xC8000, s19;
	v26 =	vor.u32 v17, v26  }
0x163: {  	p0 =	sne.s32 s17, $0x40  }
.Ltmp2:
0x164: {  	s18 =	sadd.s32 s19, s18;
	(pc) =	sbr.rel @p0 .LBB2_6-.Ltmp2, $4  }
0x165: {  	s18 =	sor.u32 s6, s18  }
0x166: {  	s18 =	sshrl.u32 s18, $0x3  }
0x167: {  	s17 =	sadd.s32 $0x1, s17;
	s18 =	sadd.s32 s2, s18;
	[tilespmem:v26+s13+$0x0] =	vst.idx.msk vm0, v3  }
0x168: {  	[hbm4b:s18+s11] =	stream.strided.scatter [tilespmem:s13], [sflag:$0x2], $0x6400, s12, s11, $0x38;
	[tilespmem:$0xD500] =	vst v63  }
0x169: {  	s16 =	sadd.s32 $0x1, s16  }
0x16a: {  	_ =	swait.ge [sflag:s14], $0x6400;
	p0 =	sne.s32 s16, s8  }
.Ltmp3:
0x16b: {  	[sflag:s14] =	ssyncset.done $0x0;
	(pc) =	sbr.rel @p0 .LBB2_1-.Ltmp3, $4  }
0x16c: {  	[sflag:s14] =	ssyncadd.s32 $0xFFFF9C00  }
0x16d: {  	_ =	swait.ge [sflag:s15], $0x6400  }
0x16e: {  	[sflag:s15] =	ssyncset.done $0x0  }
0x16f: {  	[sflag:s15] =	ssyncadd.s32 $0xFFFF9C00  }
0x170: {  	_ =	sfence.sel $0x180000  }
0x171: {  	[bflag:$0x0] =	sbarrier.arrive $0xFFFF  }
0x172: {  	p0 =	sne.s32 s0, $0x0;
	_ =	strace $0x90000047  }
0x173: {  	s0 =	sadd.s32 @!p0 $0x100000, s1;
	[bflag:$0x2] =	sbarrier.arrive $0xFFFF  }
0x174: {  	[sflag:s0] =	ssyncadd.tile.s32 @!p0 $0x1;
	_ =	shalt  }
.Lfunc_end2:
_tile_overlayer_lowered:
.L_overlay_start_2:
0x175: {  	(tag) =	ssettag $0x2  }
0x176: {  	s0 =	rddreg [dreg:$0x0];
	s2 =	stileid.u32  }
0x177: {  	s1 =	rddreg [dreg:$0x1];
	p0 =	sne.s32 s2, $0x0  }
0x178: {  	s3 =	rddreg [dreg:$0x2];
	[bflag:$0x3] =	sbarrier.arrive $0xFFFF;
	s2 =	simm.s32 @!p0 $0x1C03  }
0x179: {  	[timem:s3], [sflag:s2] =	dma.local @!p0 [hbm:s0], s1  }
0x17a: {  	s0 =	simm.s32 @!p0 $0x3  }
0x17b: {  	_ =	swait.ge @!p0 [sflag:s0], s1  }
0x17c: {  	s1 =	ssub.s32 @!p0 $0x0, s1;
	[sflag:s0] =	ssyncset.done @!p0 $0x0  }
0x17d: {  	[sflag:s0] =	ssyncadd.s32 @!p0 s1  }
0x17e: {  	[bflag:$0x3] =	sbarrier.arrive $0xFFFF  }
0x17f: {  	_ =	shalt  }

</sc_bundles>
